<compile_context>
chip_gen: v7x
topology: tpu7x:2x2x1
jax: 0.10.2.dev20260603
libtpu: 0.0.44.dev20260713+nightly
codegen_flags: <defaults>
</compile_context>

<pallas_src>
import functools

import jax
import jax.numpy as jnp
from jax import lax
from jax.experimental import pallas as pl
from jax.experimental.pallas import tpu as pltpu
from jax.experimental.pallas import tpu_sc as plsc

G = 100000
B = 16384
D0, D1, D2 = 16, 64, 256
OUT_D = D0 + D1 + D2
DP = 128

_info = plsc.get_sparse_core_info()
NC, NS = _info.num_cores, _info.num_subcores
NW = NC * NS
BPW = B // NW
CH = 128
NCH = BPW // CH

_mesh = plsc.VectorSubcoreMesh(core_axis_name="c", subcore_axis_name="s")


@functools.partial(
    pl.kernel,
    mesh=_mesh,
    out_type=(
        jax.ShapeDtypeStruct((B, DP), jnp.float32),
        jax.ShapeDtypeStruct((B, DP), jnp.float32),
        jax.ShapeDtypeStruct((B, D2), jnp.float32),
    ),
    compiler_params=pltpu.CompilerParams(use_tc_tiling_on_sc=True),
    scratch_types=[
        pltpu.VMEM((NCH, CH), jnp.int32),
        pltpu.VMEM((CH, DP), jnp.float32),
        pltpu.VMEM((CH, DP), jnp.float32),
        pltpu.VMEM((2 * CH, D2), jnp.float32),
        pltpu.SemaphoreType.DMA,
        pltpu.SemaphoreType.DMA,
        pltpu.SemaphoreType.DMA,
    ],
)
def _sc_gather(x_hbm, rep0_hbm, rep1_hbm, rep2_hbm,
               out0_hbm, out1_hbm, out2_hbm,
               idx_v, rows0_v, rows1_v, rows2_v, sem0, sem1, sem2):
    wid = lax.axis_index("s") * NC + lax.axis_index("c")
    base = wid * BPW

    pltpu.sync_copy(x_hbm.at[pl.ds(wid * NCH, NCH)], idx_v)

    def fire2(j):
        return pltpu.async_copy(rep2_hbm.at[idx_v.at[j]],
                                rows2_v.at[pl.ds((j % 2) * CH, CH)], sem2)

    def fire0(j):
        return pltpu.async_copy(rep0_hbm.at[idx_v.at[j]], rows0_v, sem0)

    def fire1(j):
        return pltpu.async_copy(rep1_hbm.at[idx_v.at[j]], rows1_v, sem1)

    h2 = fire2(0)
    h0 = fire0(0)
    h1 = fire1(0)
    h2n = fire2(1)
    for j in range(NCH):
        h2.wait()
        pltpu.sync_copy(rows2_v.at[pl.ds((j % 2) * CH, CH)],
                        out2_hbm.at[pl.ds(base + j * CH, CH)])
        h2 = h2n
        if j + 2 < NCH:
            h2n = fire2(j + 2)
        h0.wait()
        pltpu.sync_copy(rows0_v, out0_hbm.at[pl.ds(base + j * CH, CH)])
        if j + 1 < NCH:
            h0 = fire0(j + 1)
        h1.wait()
        pltpu.sync_copy(rows1_v, out1_hbm.at[pl.ds(base + j * CH, CH)])
        if j + 1 < NCH:
            h1 = fire1(j + 1)


def kernel(x, rep0, rep1, rep2):
    x2 = x.astype(jnp.int32).reshape(B // CH, CH)
    r0 = jnp.pad(rep0.reshape(G, D0), ((0, 0), (0, DP - D0)))
    r1 = jnp.pad(rep1.reshape(G, D1), ((0, 0), (0, DP - D1)))
    g0, g1, g2 = _sc_gather(x2, r0, r1, rep2.reshape(G, D2))
    return jnp.concatenate([g0[:, :D0], g1[:, :D1], g2], axis=1)

# --- scband reference (transcript-rebuilt; emitter-appended) ---
"""Pipeline reference for scband-group-embedding-8615704396096 (READ-ONLY COPY).

The authoritative reference and input builder live on the scoring server;
editing this copy changes nothing except your own understanding.
"""

import jax, jax.numpy as jnp
import numpy as np

G = 100000
B = 16384
DIMS = (4, 8, 16)


def setup_inputs(seed: int = 0) -> dict:
    key = jax.random.key(seed)
    kx, k0, k1, k2 = jax.random.split(key, 4)
    x = jax.random.randint(kx, (B,), 0, G)
    # 'reps' constructor tensors materialized as learned parameters.
    # Original torch code stores possibly-complex representation matrices and
    # takes .real -> float32; we model the real part directly as float32 tables.
    rep0 = jax.random.normal(k0, (G, DIMS[0], DIMS[0]), dtype=jnp.float32)
    rep1 = jax.random.normal(k1, (G, DIMS[1], DIMS[1]), dtype=jnp.float32)
    rep2 = jax.random.normal(k2, (G, DIMS[2], DIMS[2]), dtype=jnp.float32)
    return {"x": x, "rep0": rep0, "rep1": rep1, "rep2": rep2}


def reference(x, rep0, rep1, rep2):
    # Vectorized, faithful version of the per-element python loop:
    # for each index, gather rep[idx], flatten, nan_to_num(real -> float32), concat blocks.
    blocks = []
    for rep in (rep0, rep1, rep2):
        g = jnp.take(rep, x, axis=0)              # [B, d, d] gather (SparseCore embedding lookup)
        g = g.reshape(g.shape[0], -1)             # flatten per element: [B, d*d]
        g = jnp.nan_to_num(g.astype(jnp.float32))
        blocks.append(g)
    return jnp.concatenate(blocks, axis=1)        # [B, 336] == torch.stack of per-row cats

if __name__ == "__main__":
    import jax
    _d = setup_inputs()
    print(jax.jit(kernel)(*tuple(_d.values())))

</pallas_src>

<mosaic_0001>
#map = affine_map<(d0, d1) -> (0, 0)>
module attributes {stable_mosaic.version = 14 : i64} {
  func.func @_sc_gather(%arg0: i32, %arg1: i32, %arg2: memref<128x128xi32, #tpu.memory_space<hbm>>, %arg3: memref<100000x128xf32, #tpu.memory_space<hbm>>, %arg4: memref<100000x128xf32, #tpu.memory_space<hbm>>, %arg5: memref<100000x256xf32, #tpu.memory_space<hbm>>, %arg6: memref<16384x128xf32, #tpu.memory_space<hbm>>, %arg7: memref<16384x128xf32, #tpu.memory_space<hbm>>, %arg8: memref<16384x256xf32, #tpu.memory_space<hbm>>, %arg9: memref<4x128xi32, #tpu.memory_space<vmem>>, %arg10: memref<128x128xf32, #tpu.memory_space<vmem>>, %arg11: memref<128x128xf32, #tpu.memory_space<vmem>>, %arg12: memref<256x256xf32, #tpu.memory_space<vmem>>, %arg13: memref<!tpu.dma_semaphore, #tpu.memory_space<semaphore_mem>>, %arg14: memref<!tpu.dma_semaphore, #tpu.memory_space<semaphore_mem>>, %arg15: memref<!tpu.dma_semaphore, #tpu.memory_space<semaphore_mem>>) attributes {dimension_semantics = [#tpu.dimension_semantics<core_parallel>, #tpu.dimension_semantics<subcore_parallel>], iteration_bounds = array<i64: 2, 16>, scalar_prefetch = 0 : i64, scratch_operands = 7 : i64, tpu.core_type = #tpu.core_type<sc_vector_subcore>, window_params = [{transform_indices = #map}, {transform_indices = #map}, {transform_indices = #map}, {transform_indices = #map}, {transform_indices = #map}, {transform_indices = #map}, {transform_indices = #map}]} {
    %mul3A = arith.constant 2 : i32
    %mul3A_0 = arith.muli %arg1, %mul3A : i32
    %add3A = arith.addi %mul3A_0, %arg0 : i32
    %mul3A_1 = arith.constant 512 : i32
    %mul3A_2 = arith.muli %add3A, %mul3A_1 : i32
    %mul3A_3 = arith.constant 4 : i32
    %mul3A_4 = arith.muli %add3A, %mul3A_3 : i32
    "tpu.region"() ({
      %run_scoped3A = tpu.sem_alloc : memref<!tpu.dma_semaphore, #tpu.memory_space<semaphore_mem>>
      %dma_start3A_219 = arith.constant 0 : i32
      %dma_start3A_220 = tpu.memref_slice %arg2[%mul3A_4, %dma_start3A_219] : memref<128x128xi32, #tpu.memory_space<hbm>> -> memref<4x128xi32, #tpu.memory_space<hbm>>
      %dma_start3A_221 = arith.constant 0 : i32
      %dma_start3A_222 = tpu.memref_slice %arg2[%mul3A_4, %dma_start3A_221] : memref<128x128xi32, #tpu.memory_space<hbm>> -> memref<4x128xi32, #tpu.memory_space<hbm>>
      tpu.enqueue_dma source(%dma_start3A_222 : memref<4x128xi32, #tpu.memory_space<hbm>>) target(%arg9 : memref<4x128xi32, #tpu.memory_space<vmem>>) target_semaphore(%run_scoped3A : memref<!tpu.dma_semaphore, #tpu.memory_space<semaphore_mem>>)
      %dma_wait3A_223 = arith.constant 0 : i32
      %dma_wait3A_224 = tpu.memref_slice %arg2[%mul3A_4, %dma_wait3A_223] : memref<128x128xi32, #tpu.memory_space<hbm>> -> memref<4x128xi32, #tpu.memory_space<hbm>>
      %dma_wait3A_225 = arith.constant 0 : i32
      %dma_wait3A_226 = tpu.memref_slice %arg2[%mul3A_4, %dma_wait3A_225] : memref<128x128xi32, #tpu.memory_space<hbm>> -> memref<4x128xi32, #tpu.memory_space<hbm>>
      tpu.wait_dma2 semaphore(%run_scoped3A : memref<!tpu.dma_semaphore, #tpu.memory_space<semaphore_mem>>) src(%dma_wait3A_226 : memref<4x128xi32, #tpu.memory_space<hbm>>) dst(%arg9 : memref<4x128xi32, #tpu.memory_space<vmem>>)
      tpu.yield
    }) : () -> ()
    %dma_start3A = arith.constant 0 : i32
    %dma_start3A_5 = arith.constant 0 : i32
    %dma_start3A_6 = arith.constant 0 : i32
    %dma_start3A_7 = tpu.memref_slice %arg12[%dma_start3A_5, %dma_start3A_6] : memref<256x256xf32, #tpu.memory_space<vmem>> -> memref<128x256xf32, #tpu.memory_space<vmem>>
    %dma_start3A_8 = arith.constant 0 : i32
    %dma_start3A_9 = tpu.memref_slice %arg9[%dma_start3A, %dma_start3A_8] : memref<4x128xi32, #tpu.memory_space<vmem>> -> memref<1x128xi32, #tpu.memory_space<vmem>>
    %dma_start3A_10 = tpu.memref_squeeze %dma_start3A_9 : memref<1x128xi32, #tpu.memory_space<vmem>> -> memref<128xi32, #tpu.memory_space<vmem>>
    %dma_start3A_11 = arith.constant 0 : i32
    %dma_start3A_12 = arith.constant 0 : i32
    %dma_start3A_13 = tpu.memref_slice %arg5[%dma_start3A_11, %dma_start3A_12] : memref<100000x256xf32, #tpu.memory_space<hbm>> -> memref<100000x256xf32, #tpu.memory_space<hbm>>
    tpu.enqueue_indirect_dma source(%dma_start3A_13 : memref<100000x256xf32, #tpu.memory_space<hbm>>) target(%dma_start3A_7 : memref<128x256xf32, #tpu.memory_space<vmem>>) offsets(%dma_start3A_10 : memref<128xi32, #tpu.memory_space<vmem>>) semaphore(%arg15 : memref<!tpu.dma_semaphore, #tpu.memory_space<semaphore_mem>>)
    %dma_start3A_14 = arith.constant 0 : i32
    %dma_start3A_15 = arith.constant 0 : i32
    %dma_start3A_16 = tpu.memref_slice %arg9[%dma_start3A_14, %dma_start3A_15] : memref<4x128xi32, #tpu.memory_space<vmem>> -> memref<1x128xi32, #tpu.memory_space<vmem>>
    %dma_start3A_17 = tpu.memref_squeeze %dma_start3A_16 : memref<1x128xi32, #tpu.memory_space<vmem>> -> memref<128xi32, #tpu.memory_space<vmem>>
    %dma_start3A_18 = arith.constant 0 : i32
    %dma_start3A_19 = arith.constant 0 : i32
    %dma_start3A_20 = tpu.memref_slice %arg3[%dma_start3A_18, %dma_start3A_19] : memref<100000x128xf32, #tpu.memory_space<hbm>> -> memref<100000x128xf32, #tpu.memory_space<hbm>>
    tpu.enqueue_indirect_dma source(%dma_start3A_20 : memref<100000x128xf32, #tpu.memory_space<hbm>>) target(%arg10 : memref<128x128xf32, #tpu.memory_space<vmem>>) offsets(%dma_start3A_17 : memref<128xi32, #tpu.memory_space<vmem>>) semaphore(%arg13 : memref<!tpu.dma_semaphore, #tpu.memory_space<semaphore_mem>>)
    %dma_start3A_21 = arith.constant 0 : i32
    %dma_start3A_22 = arith.constant 0 : i32
    %dma_start3A_23 = tpu.memref_slice %arg9[%dma_start3A_21, %dma_start3A_22] : memref<4x128xi32, #tpu.memory_space<vmem>> -> memref<1x128xi32, #tpu.memory_space<vmem>>
    %dma_start3A_24 = tpu.memref_squeeze %dma_start3A_23 : memref<1x128xi32, #tpu.memory_space<vmem>> -> memref<128xi32, #tpu.memory_space<vmem>>
    %dma_start3A_25 = arith.constant 0 : i32
    %dma_start3A_26 = arith.constant 0 : i32
    %dma_start3A_27 = tpu.memref_slice %arg4[%dma_start3A_25, %dma_start3A_26] : memref<100000x128xf32, #tpu.memory_space<hbm>> -> memref<100000x128xf32, #tpu.memory_space<hbm>>
    tpu.enqueue_indirect_dma source(%dma_start3A_27 : memref<100000x128xf32, #tpu.memory_space<hbm>>) target(%arg11 : memref<128x128xf32, #tpu.memory_space<vmem>>) offsets(%dma_start3A_24 : memref<128xi32, #tpu.memory_space<vmem>>) semaphore(%arg14 : memref<!tpu.dma_semaphore, #tpu.memory_space<semaphore_mem>>)
    %dma_start3A_28 = arith.constant 1 : i32
    %dma_start3A_29 = arith.constant 128 : i32
    %dma_start3A_30 = arith.constant 0 : i32
    %dma_start3A_31 = tpu.memref_slice %arg12[%dma_start3A_29, %dma_start3A_30] : memref<256x256xf32, #tpu.memory_space<vmem>> -> memref<128x256xf32, #tpu.memory_space<vmem>>
    %dma_start3A_32 = arith.constant 0 : i32
    %dma_start3A_33 = tpu.memref_slice %arg9[%dma_start3A_28, %dma_start3A_32] : memref<4x128xi32, #tpu.memory_space<vmem>> -> memref<1x128xi32, #tpu.memory_space<vmem>>
    %dma_start3A_34 = tpu.memref_squeeze %dma_start3A_33 : memref<1x128xi32, #tpu.memory_space<vmem>> -> memref<128xi32, #tpu.memory_space<vmem>>
    %dma_start3A_35 = arith.constant 0 : i32
    %dma_start3A_36 = arith.constant 0 : i32
    %dma_start3A_37 = tpu.memref_slice %arg5[%dma_start3A_35, %dma_start3A_36] : memref<100000x256xf32, #tpu.memory_space<hbm>> -> memref<100000x256xf32, #tpu.memory_space<hbm>>
    tpu.enqueue_indirect_dma source(%dma_start3A_37 : memref<100000x256xf32, #tpu.memory_space<hbm>>) target(%dma_start3A_31 : memref<128x256xf32, #tpu.memory_space<vmem>>) offsets(%dma_start3A_34 : memref<128xi32, #tpu.memory_space<vmem>>) semaphore(%arg15 : memref<!tpu.dma_semaphore, #tpu.memory_space<semaphore_mem>>)
    %dma_wait3A = arith.constant 0 : i32
    %dma_wait3A_38 = arith.constant 0 : i32
    %dma_wait3A_39 = arith.constant 0 : i32
    %dma_wait3A_40 = tpu.memref_slice %arg12[%dma_wait3A_38, %dma_wait3A_39] : memref<256x256xf32, #tpu.memory_space<vmem>> -> memref<128x256xf32, #tpu.memory_space<vmem>>
    %dma_wait3A_41 = arith.constant 0 : i32
    %dma_wait3A_42 = tpu.memref_slice %arg9[%dma_wait3A, %dma_wait3A_41] : memref<4x128xi32, #tpu.memory_space<vmem>> -> memref<1x128xi32, #tpu.memory_space<vmem>>
    %dma_wait3A_43 = tpu.memref_squeeze %dma_wait3A_42 : memref<1x128xi32, #tpu.memory_space<vmem>> -> memref<128xi32, #tpu.memory_space<vmem>>
    %dma_wait3A_44 = arith.constant 0 : i32
    %dma_wait3A_45 = arith.constant 0 : i32
    %dma_wait3A_46 = tpu.memref_slice %arg5[%dma_wait3A_44, %dma_wait3A_45] : memref<100000x256xf32, #tpu.memory_space<hbm>> -> memref<100000x256xf32, #tpu.memory_space<hbm>>
    tpu.wait_indirect_dma semaphore(%arg15 : memref<!tpu.dma_semaphore, #tpu.memory_space<semaphore_mem>>) src(%dma_wait3A_46 : memref<100000x256xf32, #tpu.memory_space<hbm>>) dst(%dma_wait3A_40 : memref<128x256xf32, #tpu.memory_space<vmem>>)
    %add3A_47 = arith.constant 0 : i32
    %add3A_48 = arith.addi %mul3A_2, %add3A_47 : i32
    "tpu.region"() ({
      %run_scoped3A = tpu.sem_alloc : memref<!tpu.dma_semaphore, #tpu.memory_space<semaphore_mem>>
      %dma_start3A_219 = arith.constant 0 : i32
      %dma_start3A_220 = arith.constant 0 : i32
      %dma_start3A_221 = tpu.memref_slice %arg12[%dma_start3A_219, %dma_start3A_220] : memref<256x256xf32, #tpu.memory_space<vmem>> -> memref<128x256xf32, #tpu.memory_space<vmem>>
      %dma_start3A_222 = arith.constant 0 : i32
      %dma_start3A_223 = tpu.memref_slice %arg8[%add3A_48, %dma_start3A_222] : memref<16384x256xf32, #tpu.memory_space<hbm>> -> memref<128x256xf32, #tpu.memory_space<hbm>>
      %dma_start3A_224 = arith.constant 0 : i32
      %dma_start3A_225 = tpu.memref_slice %arg8[%add3A_48, %dma_start3A_224] : memref<16384x256xf32, #tpu.memory_space<hbm>> -> memref<128x256xf32, #tpu.memory_space<hbm>>
      %dma_start3A_226 = arith.constant 0 : i32
      %dma_start3A_227 = arith.constant 0 : i32
      %dma_start3A_228 = tpu.memref_slice %arg12[%dma_start3A_226, %dma_start3A_227] : memref<256x256xf32, #tpu.memory_space<vmem>> -> memref<128x256xf32, #tpu.memory_space<vmem>>
      tpu.enqueue_dma source(%dma_start3A_228 : memref<128x256xf32, #tpu.memory_space<vmem>>) target(%dma_start3A_225 : memref<128x256xf32, #tpu.memory_space<hbm>>) target_semaphore(%run_scoped3A : memref<!tpu.dma_semaphore, #tpu.memory_space<semaphore_mem>>)
      %dma_wait3A_229 = arith.constant 0 : i32
      %dma_wait3A_230 = arith.constant 0 : i32
      %dma_wait3A_231 = tpu.memref_slice %arg12[%dma_wait3A_229, %dma_wait3A_230] : memref<256x256xf32, #tpu.memory_space<vmem>> -> memref<128x256xf32, #tpu.memory_space<vmem>>
      %dma_wait3A_232 = arith.constant 0 : i32
      %dma_wait3A_233 = tpu.memref_slice %arg8[%add3A_48, %dma_wait3A_232] : memref<16384x256xf32, #tpu.memory_space<hbm>> -> memref<128x256xf32, #tpu.memory_space<hbm>>
      %dma_wait3A_234 = arith.constant 0 : i32
      %dma_wait3A_235 = tpu.memref_slice %arg8[%add3A_48, %dma_wait3A_234] : memref<16384x256xf32, #tpu.memory_space<hbm>> -> memref<128x256xf32, #tpu.memory_space<hbm>>
      %dma_wait3A_236 = arith.constant 0 : i32
      %dma_wait3A_237 = arith.constant 0 : i32
      %dma_wait3A_238 = tpu.memref_slice %arg12[%dma_wait3A_236, %dma_wait3A_237] : memref<256x256xf32, #tpu.memory_space<vmem>> -> memref<128x256xf32, #tpu.memory_space<vmem>>
      tpu.wait_dma2 semaphore(%run_scoped3A : memref<!tpu.dma_semaphore, #tpu.memory_space<semaphore_mem>>) src(%dma_wait3A_238 : memref<128x256xf32, #tpu.memory_space<vmem>>) dst(%dma_wait3A_235 : memref<128x256xf32, #tpu.memory_space<hbm>>)
      tpu.yield
    }) : () -> ()
    %dma_start3A_49 = arith.constant 2 : i32
    %dma_start3A_50 = arith.constant 0 : i32
    %dma_start3A_51 = arith.constant 0 : i32
    %dma_start3A_52 = tpu.memref_slice %arg12[%dma_start3A_50, %dma_start3A_51] : memref<256x256xf32, #tpu.memory_space<vmem>> -> memref<128x256xf32, #tpu.memory_space<vmem>>
    %dma_start3A_53 = arith.constant 0 : i32
    %dma_start3A_54 = tpu.memref_slice %arg9[%dma_start3A_49, %dma_start3A_53] : memref<4x128xi32, #tpu.memory_space<vmem>> -> memref<1x128xi32, #tpu.memory_space<vmem>>
    %dma_start3A_55 = tpu.memref_squeeze %dma_start3A_54 : memref<1x128xi32, #tpu.memory_space<vmem>> -> memref<128xi32, #tpu.memory_space<vmem>>
    %dma_start3A_56 = arith.constant 0 : i32
    %dma_start3A_57 = arith.constant 0 : i32
    %dma_start3A_58 = tpu.memref_slice %arg5[%dma_start3A_56, %dma_start3A_57] : memref<100000x256xf32, #tpu.memory_space<hbm>> -> memref<100000x256xf32, #tpu.memory_space<hbm>>
    tpu.enqueue_indirect_dma source(%dma_start3A_58 : memref<100000x256xf32, #tpu.memory_space<hbm>>) target(%dma_start3A_52 : memref<128x256xf32, #tpu.memory_space<vmem>>) offsets(%dma_start3A_55 : memref<128xi32, #tpu.memory_space<vmem>>) semaphore(%arg15 : memref<!tpu.dma_semaphore, #tpu.memory_space<semaphore_mem>>)
    %dma_wait3A_59 = arith.constant 0 : i32
    %dma_wait3A_60 = arith.constant 0 : i32
    %dma_wait3A_61 = tpu.memref_slice %arg9[%dma_wait3A_59, %dma_wait3A_60] : memref<4x128xi32, #tpu.memory_space<vmem>> -> memref<1x128xi32, #tpu.memory_space<vmem>>
    %dma_wait3A_62 = tpu.memref_squeeze %dma_wait3A_61 : memref<1x128xi32, #tpu.memory_space<vmem>> -> memref<128xi32, #tpu.memory_space<vmem>>
    %dma_wait3A_63 = arith.constant 0 : i32
    %dma_wait3A_64 = arith.constant 0 : i32
    %dma_wait3A_65 = tpu.memref_slice %arg3[%dma_wait3A_63, %dma_wait3A_64] : memref<100000x128xf32, #tpu.memory_space<hbm>> -> memref<100000x128xf32, #tpu.memory_space<hbm>>
    tpu.wait_indirect_dma semaphore(%arg13 : memref<!tpu.dma_semaphore, #tpu.memory_space<semaphore_mem>>) src(%dma_wait3A_65 : memref<100000x128xf32, #tpu.memory_space<hbm>>) dst(%arg10 : memref<128x128xf32, #tpu.memory_space<vmem>>)
    %add3A_66 = arith.constant 0 : i32
    %add3A_67 = arith.addi %mul3A_2, %add3A_66 : i32
    "tpu.region"() ({
      %run_scoped3A = tpu.sem_alloc : memref<!tpu.dma_semaphore, #tpu.memory_space<semaphore_mem>>
      %dma_start3A_219 = arith.constant 0 : i32
      %dma_start3A_220 = tpu.memref_slice %arg6[%add3A_67, %dma_start3A_219] : memref<16384x128xf32, #tpu.memory_space<hbm>> -> memref<128x128xf32, #tpu.memory_space<hbm>>
      %dma_start3A_221 = arith.constant 0 : i32
      %dma_start3A_222 = tpu.memref_slice %arg6[%add3A_67, %dma_start3A_221] : memref<16384x128xf32, #tpu.memory_space<hbm>> -> memref<128x128xf32, #tpu.memory_space<hbm>>
      tpu.enqueue_dma source(%arg10 : memref<128x128xf32, #tpu.memory_space<vmem>>) target(%dma_start3A_222 : memref<128x128xf32, #tpu.memory_space<hbm>>) target_semaphore(%run_scoped3A : memref<!tpu.dma_semaphore, #tpu.memory_space<semaphore_mem>>)
      %dma_wait3A_223 = arith.constant 0 : i32
      %dma_wait3A_224 = tpu.memref_slice %arg6[%add3A_67, %dma_wait3A_223] : memref<16384x128xf32, #tpu.memory_space<hbm>> -> memref<128x128xf32, #tpu.memory_space<hbm>>
      %dma_wait3A_225 = arith.constant 0 : i32
      %dma_wait3A_226 = tpu.memref_slice %arg6[%add3A_67, %dma_wait3A_225] : memref<16384x128xf32, #tpu.memory_space<hbm>> -> memref<128x128xf32, #tpu.memory_space<hbm>>
      tpu.wait_dma2 semaphore(%run_scoped3A : memref<!tpu.dma_semaphore, #tpu.memory_space<semaphore_mem>>) src(%arg10 : memref<128x128xf32, #tpu.memory_space<vmem>>) dst(%dma_wait3A_226 : memref<128x128xf32, #tpu.memory_space<hbm>>)
      tpu.yield
    }) : () -> ()
    %dma_start3A_68 = arith.constant 1 : i32
    %dma_start3A_69 = arith.constant 0 : i32
    %dma_start3A_70 = tpu.memref_slice %arg9[%dma_start3A_68, %dma_start3A_69] : memref<4x128xi32, #tpu.memory_space<vmem>> -> memref<1x128xi32, #tpu.memory_space<vmem>>
    %dma_start3A_71 = tpu.memref_squeeze %dma_start3A_70 : memref<1x128xi32, #tpu.memory_space<vmem>> -> memref<128xi32, #tpu.memory_space<vmem>>
    %dma_start3A_72 = arith.constant 0 : i32
    %dma_start3A_73 = arith.constant 0 : i32
    %dma_start3A_74 = tpu.memref_slice %arg3[%dma_start3A_72, %dma_start3A_73] : memref<100000x128xf32, #tpu.memory_space<hbm>> -> memref<100000x128xf32, #tpu.memory_space<hbm>>
    tpu.enqueue_indirect_dma source(%dma_start3A_74 : memref<100000x128xf32, #tpu.memory_space<hbm>>) target(%arg10 : memref<128x128xf32, #tpu.memory_space<vmem>>) offsets(%dma_start3A_71 : memref<128xi32, #tpu.memory_space<vmem>>) semaphore(%arg13 : memref<!tpu.dma_semaphore, #tpu.memory_space<semaphore_mem>>)
    %dma_wait3A_75 = arith.constant 0 : i32
    %dma_wait3A_76 = arith.constant 0 : i32
    %dma_wait3A_77 = tpu.memref_slice %arg9[%dma_wait3A_75, %dma_wait3A_76] : memref<4x128xi32, #tpu.memory_space<vmem>> -> memref<1x128xi32, #tpu.memory_space<vmem>>
    %dma_wait3A_78 = tpu.memref_squeeze %dma_wait3A_77 : memref<1x128xi32, #tpu.memory_space<vmem>> -> memref<128xi32, #tpu.memory_space<vmem>>
    %dma_wait3A_79 = arith.constant 0 : i32
    %dma_wait3A_80 = arith.constant 0 : i32
    %dma_wait3A_81 = tpu.memref_slice %arg4[%dma_wait3A_79, %dma_wait3A_80] : memref<100000x128xf32, #tpu.memory_space<hbm>> -> memref<100000x128xf32, #tpu.memory_space<hbm>>
    tpu.wait_indirect_dma semaphore(%arg14 : memref<!tpu.dma_semaphore, #tpu.memory_space<semaphore_mem>>) src(%dma_wait3A_81 : memref<100000x128xf32, #tpu.memory_space<hbm>>) dst(%arg11 : memref<128x128xf32, #tpu.memory_space<vmem>>)
    %add3A_82 = arith.constant 0 : i32
    %add3A_83 = arith.addi %mul3A_2, %add3A_82 : i32
    "tpu.region"() ({
      %run_scoped3A = tpu.sem_alloc : memref<!tpu.dma_semaphore, #tpu.memory_space<semaphore_mem>>
      %dma_start3A_219 = arith.constant 0 : i32
      %dma_start3A_220 = tpu.memref_slice %arg7[%add3A_83, %dma_start3A_219] : memref<16384x128xf32, #tpu.memory_space<hbm>> -> memref<128x128xf32, #tpu.memory_space<hbm>>
      %dma_start3A_221 = arith.constant 0 : i32
      %dma_start3A_222 = tpu.memref_slice %arg7[%add3A_83, %dma_start3A_221] : memref<16384x128xf32, #tpu.memory_space<hbm>> -> memref<128x128xf32, #tpu.memory_space<hbm>>
      tpu.enqueue_dma source(%arg11 : memref<128x128xf32, #tpu.memory_space<vmem>>) target(%dma_start3A_222 : memref<128x128xf32, #tpu.memory_space<hbm>>) target_semaphore(%run_scoped3A : memref<!tpu.dma_semaphore, #tpu.memory_space<semaphore_mem>>)
      %dma_wait3A_223 = arith.constant 0 : i32
      %dma_wait3A_224 = tpu.memref_slice %arg7[%add3A_83, %dma_wait3A_223] : memref<16384x128xf32, #tpu.memory_space<hbm>> -> memref<128x128xf32, #tpu.memory_space<hbm>>
      %dma_wait3A_225 = arith.constant 0 : i32
      %dma_wait3A_226 = tpu.memref_slice %arg7[%add3A_83, %dma_wait3A_225] : memref<16384x128xf32, #tpu.memory_space<hbm>> -> memref<128x128xf32, #tpu.memory_space<hbm>>
      tpu.wait_dma2 semaphore(%run_scoped3A : memref<!tpu.dma_semaphore, #tpu.memory_space<semaphore_mem>>) src(%arg11 : memref<128x128xf32, #tpu.memory_space<vmem>>) dst(%dma_wait3A_226 : memref<128x128xf32, #tpu.memory_space<hbm>>)
      tpu.yield
    }) : () -> ()
    %dma_start3A_84 = arith.constant 1 : i32
    %dma_start3A_85 = arith.constant 0 : i32
    %dma_start3A_86 = tpu.memref_slice %arg9[%dma_start3A_84, %dma_start3A_85] : memref<4x128xi32, #tpu.memory_space<vmem>> -> memref<1x128xi32, #tpu.memory_space<vmem>>
    %dma_start3A_87 = tpu.memref_squeeze %dma_start3A_86 : memref<1x128xi32, #tpu.memory_space<vmem>> -> memref<128xi32, #tpu.memory_space<vmem>>
    %dma_start3A_88 = arith.constant 0 : i32
    %dma_start3A_89 = arith.constant 0 : i32
    %dma_start3A_90 = tpu.memref_slice %arg4[%dma_start3A_88, %dma_start3A_89] : memref<100000x128xf32, #tpu.memory_space<hbm>> -> memref<100000x128xf32, #tpu.memory_space<hbm>>
    tpu.enqueue_indirect_dma source(%dma_start3A_90 : memref<100000x128xf32, #tpu.memory_space<hbm>>) target(%arg11 : memref<128x128xf32, #tpu.memory_space<vmem>>) offsets(%dma_start3A_87 : memref<128xi32, #tpu.memory_space<vmem>>) semaphore(%arg14 : memref<!tpu.dma_semaphore, #tpu.memory_space<semaphore_mem>>)
    %dma_wait3A_91 = arith.constant 1 : i32
    %dma_wait3A_92 = arith.constant 128 : i32
    %dma_wait3A_93 = arith.constant 0 : i32
    %dma_wait3A_94 = tpu.memref_slice %arg12[%dma_wait3A_92, %dma_wait3A_93] : memref<256x256xf32, #tpu.memory_space<vmem>> -> memref<128x256xf32, #tpu.memory_space<vmem>>
    %dma_wait3A_95 = arith.constant 0 : i32
    %dma_wait3A_96 = tpu.memref_slice %arg9[%dma_wait3A_91, %dma_wait3A_95] : memref<4x128xi32, #tpu.memory_space<vmem>> -> memref<1x128xi32, #tpu.memory_space<vmem>>
    %dma_wait3A_97 = tpu.memref_squeeze %dma_wait3A_96 : memref<1x128xi32, #tpu.memory_space<vmem>> -> memref<128xi32, #tpu.memory_space<vmem>>
    %dma_wait3A_98 = arith.constant 0 : i32
    %dma_wait3A_99 = arith.constant 0 : i32
    %dma_wait3A_100 = tpu.memref_slice %arg5[%dma_wait3A_98, %dma_wait3A_99] : memref<100000x256xf32, #tpu.memory_space<hbm>> -> memref<100000x256xf32, #tpu.memory_space<hbm>>
    tpu.wait_indirect_dma semaphore(%arg15 : memref<!tpu.dma_semaphore, #tpu.memory_space<semaphore_mem>>) src(%dma_wait3A_100 : memref<100000x256xf32, #tpu.memory_space<hbm>>) dst(%dma_wait3A_94 : memref<128x256xf32, #tpu.memory_space<vmem>>)
    %add3A_101 = arith.constant 128 : i32
    %add3A_102 = arith.addi %mul3A_2, %add3A_101 : i32
    "tpu.region"() ({
      %run_scoped3A = tpu.sem_alloc : memref<!tpu.dma_semaphore, #tpu.memory_space<semaphore_mem>>
      %dma_start3A_219 = arith.constant 128 : i32
      %dma_start3A_220 = arith.constant 0 : i32
      %dma_start3A_221 = tpu.memref_slice %arg12[%dma_start3A_219, %dma_start3A_220] : memref<256x256xf32, #tpu.memory_space<vmem>> -> memref<128x256xf32, #tpu.memory_space<vmem>>
      %dma_start3A_222 = arith.constant 0 : i32
      %dma_start3A_223 = tpu.memref_slice %arg8[%add3A_102, %dma_start3A_222] : memref<16384x256xf32, #tpu.memory_space<hbm>> -> memref<128x256xf32, #tpu.memory_space<hbm>>
      %dma_start3A_224 = arith.constant 0 : i32
      %dma_start3A_225 = tpu.memref_slice %arg8[%add3A_102, %dma_start3A_224] : memref<16384x256xf32, #tpu.memory_space<hbm>> -> memref<128x256xf32, #tpu.memory_space<hbm>>
      %dma_start3A_226 = arith.constant 128 : i32
      %dma_start3A_227 = arith.constant 0 : i32
      %dma_start3A_228 = tpu.memref_slice %arg12[%dma_start3A_226, %dma_start3A_227] : memref<256x256xf32, #tpu.memory_space<vmem>> -> memref<128x256xf32, #tpu.memory_space<vmem>>
      tpu.enqueue_dma source(%dma_start3A_228 : memref<128x256xf32, #tpu.memory_space<vmem>>) target(%dma_start3A_225 : memref<128x256xf32, #tpu.memory_space<hbm>>) target_semaphore(%run_scoped3A : memref<!tpu.dma_semaphore, #tpu.memory_space<semaphore_mem>>)
      %dma_wait3A_229 = arith.constant 128 : i32
      %dma_wait3A_230 = arith.constant 0 : i32
      %dma_wait3A_231 = tpu.memref_slice %arg12[%dma_wait3A_229, %dma_wait3A_230] : memref<256x256xf32, #tpu.memory_space<vmem>> -> memref<128x256xf32, #tpu.memory_space<vmem>>
      %dma_wait3A_232 = arith.constant 0 : i32
      %dma_wait3A_233 = tpu.memref_slice %arg8[%add3A_102, %dma_wait3A_232] : memref<16384x256xf32, #tpu.memory_space<hbm>> -> memref<128x256xf32, #tpu.memory_space<hbm>>
      %dma_wait3A_234 = arith.constant 0 : i32
      %dma_wait3A_235 = tpu.memref_slice %arg8[%add3A_102, %dma_wait3A_234] : memref<16384x256xf32, #tpu.memory_space<hbm>> -> memref<128x256xf32, #tpu.memory_space<hbm>>
      %dma_wait3A_236 = arith.constant 128 : i32
      %dma_wait3A_237 = arith.constant 0 : i32
      %dma_wait3A_238 = tpu.memref_slice %arg12[%dma_wait3A_236, %dma_wait3A_237] : memref<256x256xf32, #tpu.memory_space<vmem>> -> memref<128x256xf32, #tpu.memory_space<vmem>>
      tpu.wait_dma2 semaphore(%run_scoped3A : memref<!tpu.dma_semaphore, #tpu.memory_space<semaphore_mem>>) src(%dma_wait3A_238 : memref<128x256xf32, #tpu.memory_space<vmem>>) dst(%dma_wait3A_235 : memref<128x256xf32, #tpu.memory_space<hbm>>)
      tpu.yield
    }) : () -> ()
    %dma_start3A_103 = arith.constant 3 : i32
    %dma_start3A_104 = arith.constant 128 : i32
    %dma_start3A_105 = arith.constant 0 : i32
    %dma_start3A_106 = tpu.memref_slice %arg12[%dma_start3A_104, %dma_start3A_105] : memref<256x256xf32, #tpu.memory_space<vmem>> -> memref<128x256xf32, #tpu.memory_space<vmem>>
    %dma_start3A_107 = arith.constant 0 : i32
    %dma_start3A_108 = tpu.memref_slice %arg9[%dma_start3A_103, %dma_start3A_107] : memref<4x128xi32, #tpu.memory_space<vmem>> -> memref<1x128xi32, #tpu.memory_space<vmem>>
    %dma_start3A_109 = tpu.memref_squeeze %dma_start3A_108 : memref<1x128xi32, #tpu.memory_space<vmem>> -> memref<128xi32, #tpu.memory_space<vmem>>
    %dma_start3A_110 = arith.constant 0 : i32
    %dma_start3A_111 = arith.constant 0 : i32
    %dma_start3A_112 = tpu.memref_slice %arg5[%dma_start3A_110, %dma_start3A_111] : memref<100000x256xf32, #tpu.memory_space<hbm>> -> memref<100000x256xf32, #tpu.memory_space<hbm>>
    tpu.enqueue_indirect_dma source(%dma_start3A_112 : memref<100000x256xf32, #tpu.memory_space<hbm>>) target(%dma_start3A_106 : memref<128x256xf32, #tpu.memory_space<vmem>>) offsets(%dma_start3A_109 : memref<128xi32, #tpu.memory_space<vmem>>) semaphore(%arg15 : memref<!tpu.dma_semaphore, #tpu.memory_space<semaphore_mem>>)
    %dma_wait3A_113 = arith.constant 1 : i32
    %dma_wait3A_114 = arith.constant 0 : i32
    %dma_wait3A_115 = tpu.memref_slice %arg9[%dma_wait3A_113, %dma_wait3A_114] : memref<4x128xi32, #tpu.memory_space<vmem>> -> memref<1x128xi32, #tpu.memory_space<vmem>>
    %dma_wait3A_116 = tpu.memref_squeeze %dma_wait3A_115 : memref<1x128xi32, #tpu.memory_space<vmem>> -> memref<128xi32, #tpu.memory_space<vmem>>
    %dma_wait3A_117 = arith.constant 0 : i32
    %dma_wait3A_118 = arith.constant 0 : i32
    %dma_wait3A_119 = tpu.memref_slice %arg3[%dma_wait3A_117, %dma_wait3A_118] : memref<100000x128xf32, #tpu.memory_space<hbm>> -> memref<100000x128xf32, #tpu.memory_space<hbm>>
    tpu.wait_indirect_dma semaphore(%arg13 : memref<!tpu.dma_semaphore, #tpu.memory_space<semaphore_mem>>) src(%dma_wait3A_119 : memref<100000x128xf32, #tpu.memory_space<hbm>>) dst(%arg10 : memref<128x128xf32, #tpu.memory_space<vmem>>)
    %add3A_120 = arith.constant 128 : i32
    %add3A_121 = arith.addi %mul3A_2, %add3A_120 : i32
    "tpu.region"() ({
      %run_scoped3A = tpu.sem_alloc : memref<!tpu.dma_semaphore, #tpu.memory_space<semaphore_mem>>
      %dma_start3A_219 = arith.constant 0 : i32
      %dma_start3A_220 = tpu.memref_slice %arg6[%add3A_121, %dma_start3A_219] : memref<16384x128xf32, #tpu.memory_space<hbm>> -> memref<128x128xf32, #tpu.memory_space<hbm>>
      %dma_start3A_221 = arith.constant 0 : i32
      %dma_start3A_222 = tpu.memref_slice %arg6[%add3A_121, %dma_start3A_221] : memref<16384x128xf32, #tpu.memory_space<hbm>> -> memref<128x128xf32, #tpu.memory_space<hbm>>
      tpu.enqueue_dma source(%arg10 : memref<128x128xf32, #tpu.memory_space<vmem>>) target(%dma_start3A_222 : memref<128x128xf32, #tpu.memory_space<hbm>>) target_semaphore(%run_scoped3A : memref<!tpu.dma_semaphore, #tpu.memory_space<semaphore_mem>>)
      %dma_wait3A_223 = arith.constant 0 : i32
      %dma_wait3A_224 = tpu.memref_slice %arg6[%add3A_121, %dma_wait3A_223] : memref<16384x128xf32, #tpu.memory_space<hbm>> -> memref<128x128xf32, #tpu.memory_space<hbm>>
      %dma_wait3A_225 = arith.constant 0 : i32
      %dma_wait3A_226 = tpu.memref_slice %arg6[%add3A_121, %dma_wait3A_225] : memref<16384x128xf32, #tpu.memory_space<hbm>> -> memref<128x128xf32, #tpu.memory_space<hbm>>
      tpu.wait_dma2 semaphore(%run_scoped3A : memref<!tpu.dma_semaphore, #tpu.memory_space<semaphore_mem>>) src(%arg10 : memref<128x128xf32, #tpu.memory_space<vmem>>) dst(%dma_wait3A_226 : memref<128x128xf32, #tpu.memory_space<hbm>>)
      tpu.yield
    }) : () -> ()
    %dma_start3A_122 = arith.constant 2 : i32
    %dma_start3A_123 = arith.constant 0 : i32
    %dma_start3A_124 = tpu.memref_slice %arg9[%dma_start3A_122, %dma_start3A_123] : memref<4x128xi32, #tpu.memory_space<vmem>> -> memref<1x128xi32, #tpu.memory_space<vmem>>
    %dma_start3A_125 = tpu.memref_squeeze %dma_start3A_124 : memref<1x128xi32, #tpu.memory_space<vmem>> -> memref<128xi32, #tpu.memory_space<vmem>>
    %dma_start3A_126 = arith.constant 0 : i32
    %dma_start3A_127 = arith.constant 0 : i32
    %dma_start3A_128 = tpu.memref_slice %arg3[%dma_start3A_126, %dma_start3A_127] : memref<100000x128xf32, #tpu.memory_space<hbm>> -> memref<100000x128xf32, #tpu.memory_space<hbm>>
    tpu.enqueue_indirect_dma source(%dma_start3A_128 : memref<100000x128xf32, #tpu.memory_space<hbm>>) target(%arg10 : memref<128x128xf32, #tpu.memory_space<vmem>>) offsets(%dma_start3A_125 : memref<128xi32, #tpu.memory_space<vmem>>) semaphore(%arg13 : memref<!tpu.dma_semaphore, #tpu.memory_space<semaphore_mem>>)
    %dma_wait3A_129 = arith.constant 1 : i32
    %dma_wait3A_130 = arith.constant 0 : i32
    %dma_wait3A_131 = tpu.memref_slice %arg9[%dma_wait3A_129, %dma_wait3A_130] : memref<4x128xi32, #tpu.memory_space<vmem>> -> memref<1x128xi32, #tpu.memory_space<vmem>>
    %dma_wait3A_132 = tpu.memref_squeeze %dma_wait3A_131 : memref<1x128xi32, #tpu.memory_space<vmem>> -> memref<128xi32, #tpu.memory_space<vmem>>
    %dma_wait3A_133 = arith.constant 0 : i32
    %dma_wait3A_134 = arith.constant 0 : i32
    %dma_wait3A_135 = tpu.memref_slice %arg4[%dma_wait3A_133, %dma_wait3A_134] : memref<100000x128xf32, #tpu.memory_space<hbm>> -> memref<100000x128xf32, #tpu.memory_space<hbm>>
    tpu.wait_indirect_dma semaphore(%arg14 : memref<!tpu.dma_semaphore, #tpu.memory_space<semaphore_mem>>) src(%dma_wait3A_135 : memref<100000x128xf32, #tpu.memory_space<hbm>>) dst(%arg11 : memref<128x128xf32, #tpu.memory_space<vmem>>)
    %add3A_136 = arith.constant 128 : i32
    %add3A_137 = arith.addi %mul3A_2, %add3A_136 : i32
    "tpu.region"() ({
      %run_scoped3A = tpu.sem_alloc : memref<!tpu.dma_semaphore, #tpu.memory_space<semaphore_mem>>
      %dma_start3A_219 = arith.constant 0 : i32
      %dma_start3A_220 = tpu.memref_slice %arg7[%add3A_137, %dma_start3A_219] : memref<16384x128xf32, #tpu.memory_space<hbm>> -> memref<128x128xf32, #tpu.memory_space<hbm>>
      %dma_start3A_221 = arith.constant 0 : i32
      %dma_start3A_222 = tpu.memref_slice %arg7[%add3A_137, %dma_start3A_221] : memref<16384x128xf32, #tpu.memory_space<hbm>> -> memref<128x128xf32, #tpu.memory_space<hbm>>
      tpu.enqueue_dma source(%arg11 : memref<128x128xf32, #tpu.memory_space<vmem>>) target(%dma_start3A_222 : memref<128x128xf32, #tpu.memory_space<hbm>>) target_semaphore(%run_scoped3A : memref<!tpu.dma_semaphore, #tpu.memory_space<semaphore_mem>>)
      %dma_wait3A_223 = arith.constant 0 : i32
      %dma_wait3A_224 = tpu.memref_slice %arg7[%add3A_137, %dma_wait3A_223] : memref<16384x128xf32, #tpu.memory_space<hbm>> -> memref<128x128xf32, #tpu.memory_space<hbm>>
      %dma_wait3A_225 = arith.constant 0 : i32
      %dma_wait3A_226 = tpu.memref_slice %arg7[%add3A_137, %dma_wait3A_225] : memref<16384x128xf32, #tpu.memory_space<hbm>> -> memref<128x128xf32, #tpu.memory_space<hbm>>
      tpu.wait_dma2 semaphore(%run_scoped3A : memref<!tpu.dma_semaphore, #tpu.memory_space<semaphore_mem>>) src(%arg11 : memref<128x128xf32, #tpu.memory_space<vmem>>) dst(%dma_wait3A_226 : memref<128x128xf32, #tpu.memory_space<hbm>>)
      tpu.yield
    }) : () -> ()
    %dma_start3A_138 = arith.constant 2 : i32
    %dma_start3A_139 = arith.constant 0 : i32
    %dma_start3A_140 = tpu.memref_slice %arg9[%dma_start3A_138, %dma_start3A_139] : memref<4x128xi32, #tpu.memory_space<vmem>> -> memref<1x128xi32, #tpu.memory_space<vmem>>
    %dma_start3A_141 = tpu.memref_squeeze %dma_start3A_140 : memref<1x128xi32, #tpu.memory_space<vmem>> -> memref<128xi32, #tpu.memory_space<vmem>>
    %dma_start3A_142 = arith.constant 0 : i32
    %dma_start3A_143 = arith.constant 0 : i32
    %dma_start3A_144 = tpu.memref_slice %arg4[%dma_start3A_142, %dma_start3A_143] : memref<100000x128xf32, #tpu.memory_space<hbm>> -> memref<100000x128xf32, #tpu.memory_space<hbm>>
    tpu.enqueue_indirect_dma source(%dma_start3A_144 : memref<100000x128xf32, #tpu.memory_space<hbm>>) target(%arg11 : memref<128x128xf32, #tpu.memory_space<vmem>>) offsets(%dma_start3A_141 : memref<128xi32, #tpu.memory_space<vmem>>) semaphore(%arg14 : memref<!tpu.dma_semaphore, #tpu.memory_space<semaphore_mem>>)
    %dma_wait3A_145 = arith.constant 2 : i32
    %dma_wait3A_146 = arith.constant 0 : i32
    %dma_wait3A_147 = arith.constant 0 : i32
    %dma_wait3A_148 = tpu.memref_slice %arg12[%dma_wait3A_146, %dma_wait3A_147] : memref<256x256xf32, #tpu.memory_space<vmem>> -> memref<128x256xf32, #tpu.memory_space<vmem>>
    %dma_wait3A_149 = arith.constant 0 : i32
    %dma_wait3A_150 = tpu.memref_slice %arg9[%dma_wait3A_145, %dma_wait3A_149] : memref<4x128xi32, #tpu.memory_space<vmem>> -> memref<1x128xi32, #tpu.memory_space<vmem>>
    %dma_wait3A_151 = tpu.memref_squeeze %dma_wait3A_150 : memref<1x128xi32, #tpu.memory_space<vmem>> -> memref<128xi32, #tpu.memory_space<vmem>>
    %dma_wait3A_152 = arith.constant 0 : i32
    %dma_wait3A_153 = arith.constant 0 : i32
    %dma_wait3A_154 = tpu.memref_slice %arg5[%dma_wait3A_152, %dma_wait3A_153] : memref<100000x256xf32, #tpu.memory_space<hbm>> -> memref<100000x256xf32, #tpu.memory_space<hbm>>
    tpu.wait_indirect_dma semaphore(%arg15 : memref<!tpu.dma_semaphore, #tpu.memory_space<semaphore_mem>>) src(%dma_wait3A_154 : memref<100000x256xf32, #tpu.memory_space<hbm>>) dst(%dma_wait3A_148 : memref<128x256xf32, #tpu.memory_space<vmem>>)
    %add3A_155 = arith.constant 256 : i32
    %add3A_156 = arith.addi %mul3A_2, %add3A_155 : i32
    "tpu.region"() ({
      %run_scoped3A = tpu.sem_alloc : memref<!tpu.dma_semaphore, #tpu.memory_space<semaphore_mem>>
      %dma_start3A_219 = arith.constant 0 : i32
      %dma_start3A_220 = arith.constant 0 : i32
      %dma_start3A_221 = tpu.memref_slice %arg12[%dma_start3A_219, %dma_start3A_220] : memref<256x256xf32, #tpu.memory_space<vmem>> -> memref<128x256xf32, #tpu.memory_space<vmem>>
      %dma_start3A_222 = arith.constant 0 : i32
      %dma_start3A_223 = tpu.memref_slice %arg8[%add3A_156, %dma_start3A_222] : memref<16384x256xf32, #tpu.memory_space<hbm>> -> memref<128x256xf32, #tpu.memory_space<hbm>>
      %dma_start3A_224 = arith.constant 0 : i32
      %dma_start3A_225 = tpu.memref_slice %arg8[%add3A_156, %dma_start3A_224] : memref<16384x256xf32, #tpu.memory_space<hbm>> -> memref<128x256xf32, #tpu.memory_space<hbm>>
      %dma_start3A_226 = arith.constant 0 : i32
      %dma_start3A_227 = arith.constant 0 : i32
      %dma_start3A_228 = tpu.memref_slice %arg12[%dma_start3A_226, %dma_start3A_227] : memref<256x256xf32, #tpu.memory_space<vmem>> -> memref<128x256xf32, #tpu.memory_space<vmem>>
      tpu.enqueue_dma source(%dma_start3A_228 : memref<128x256xf32, #tpu.memory_space<vmem>>) target(%dma_start3A_225 : memref<128x256xf32, #tpu.memory_space<hbm>>) target_semaphore(%run_scoped3A : memref<!tpu.dma_semaphore, #tpu.memory_space<semaphore_mem>>)
      %dma_wait3A_229 = arith.constant 0 : i32
      %dma_wait3A_230 = arith.constant 0 : i32
      %dma_wait3A_231 = tpu.memref_slice %arg12[%dma_wait3A_229, %dma_wait3A_230] : memref<256x256xf32, #tpu.memory_space<vmem>> -> memref<128x256xf32, #tpu.memory_space<vmem>>
      %dma_wait3A_232 = arith.constant 0 : i32
      %dma_wait3A_233 = tpu.memref_slice %arg8[%add3A_156, %dma_wait3A_232] : memref<16384x256xf32, #tpu.memory_space<hbm>> -> memref<128x256xf32, #tpu.memory_space<hbm>>
      %dma_wait3A_234 = arith.constant 0 : i32
      %dma_wait3A_235 = tpu.memref_slice %arg8[%add3A_156, %dma_wait3A_234] : memref<16384x256xf32, #tpu.memory_space<hbm>> -> memref<128x256xf32, #tpu.memory_space<hbm>>
      %dma_wait3A_236 = arith.constant 0 : i32
      %dma_wait3A_237 = arith.constant 0 : i32
      %dma_wait3A_238 = tpu.memref_slice %arg12[%dma_wait3A_236, %dma_wait3A_237] : memref<256x256xf32, #tpu.memory_space<vmem>> -> memref<128x256xf32, #tpu.memory_space<vmem>>
      tpu.wait_dma2 semaphore(%run_scoped3A : memref<!tpu.dma_semaphore, #tpu.memory_space<semaphore_mem>>) src(%dma_wait3A_238 : memref<128x256xf32, #tpu.memory_space<vmem>>) dst(%dma_wait3A_235 : memref<128x256xf32, #tpu.memory_space<hbm>>)
      tpu.yield
    }) : () -> ()
    %dma_wait3A_157 = arith.constant 2 : i32
    %dma_wait3A_158 = arith.constant 0 : i32
    %dma_wait3A_159 = tpu.memref_slice %arg9[%dma_wait3A_157, %dma_wait3A_158] : memref<4x128xi32, #tpu.memory_space<vmem>> -> memref<1x128xi32, #tpu.memory_space<vmem>>
    %dma_wait3A_160 = tpu.memref_squeeze %dma_wait3A_159 : memref<1x128xi32, #tpu.memory_space<vmem>> -> memref<128xi32, #tpu.memory_space<vmem>>
    %dma_wait3A_161 = arith.constant 0 : i32
    %dma_wait3A_162 = arith.constant 0 : i32
    %dma_wait3A_163 = tpu.memref_slice %arg3[%dma_wait3A_161, %dma_wait3A_162] : memref<100000x128xf32, #tpu.memory_space<hbm>> -> memref<100000x128xf32, #tpu.memory_space<hbm>>
    tpu.wait_indirect_dma semaphore(%arg13 : memref<!tpu.dma_semaphore, #tpu.memory_space<semaphore_mem>>) src(%dma_wait3A_163 : memref<100000x128xf32, #tpu.memory_space<hbm>>) dst(%arg10 : memref<128x128xf32, #tpu.memory_space<vmem>>)
    %add3A_164 = arith.constant 256 : i32
    %add3A_165 = arith.addi %mul3A_2, %add3A_164 : i32
    "tpu.region"() ({
      %run_scoped3A = tpu.sem_alloc : memref<!tpu.dma_semaphore, #tpu.memory_space<semaphore_mem>>
      %dma_start3A_219 = arith.constant 0 : i32
      %dma_start3A_220 = tpu.memref_slice %arg6[%add3A_165, %dma_start3A_219] : memref<16384x128xf32, #tpu.memory_space<hbm>> -> memref<128x128xf32, #tpu.memory_space<hbm>>
      %dma_start3A_221 = arith.constant 0 : i32
      %dma_start3A_222 = tpu.memref_slice %arg6[%add3A_165, %dma_start3A_221] : memref<16384x128xf32, #tpu.memory_space<hbm>> -> memref<128x128xf32, #tpu.memory_space<hbm>>
      tpu.enqueue_dma source(%arg10 : memref<128x128xf32, #tpu.memory_space<vmem>>) target(%dma_start3A_222 : memref<128x128xf32, #tpu.memory_space<hbm>>) target_semaphore(%run_scoped3A : memref<!tpu.dma_semaphore, #tpu.memory_space<semaphore_mem>>)
      %dma_wait3A_223 = arith.constant 0 : i32
      %dma_wait3A_224 = tpu.memref_slice %arg6[%add3A_165, %dma_wait3A_223] : memref<16384x128xf32, #tpu.memory_space<hbm>> -> memref<128x128xf32, #tpu.memory_space<hbm>>
      %dma_wait3A_225 = arith.constant 0 : i32
      %dma_wait3A_226 = tpu.memref_slice %arg6[%add3A_165, %dma_wait3A_225] : memref<16384x128xf32, #tpu.memory_space<hbm>> -> memref<128x128xf32, #tpu.memory_space<hbm>>
      tpu.wait_dma2 semaphore(%run_scoped3A : memref<!tpu.dma_semaphore, #tpu.memory_space<semaphore_mem>>) src(%arg10 : memref<128x128xf32, #tpu.memory_space<vmem>>) dst(%dma_wait3A_226 : memref<128x128xf32, #tpu.memory_space<hbm>>)
      tpu.yield
    }) : () -> ()
    %dma_start3A_166 = arith.constant 3 : i32
    %dma_start3A_167 = arith.constant 0 : i32
    %dma_start3A_168 = tpu.memref_slice %arg9[%dma_start3A_166, %dma_start3A_167] : memref<4x128xi32, #tpu.memory_space<vmem>> -> memref<1x128xi32, #tpu.memory_space<vmem>>
    %dma_start3A_169 = tpu.memref_squeeze %dma_start3A_168 : memref<1x128xi32, #tpu.memory_space<vmem>> -> memref<128xi32, #tpu.memory_space<vmem>>
    %dma_start3A_170 = arith.constant 0 : i32
    %dma_start3A_171 = arith.constant 0 : i32
    %dma_start3A_172 = tpu.memref_slice %arg3[%dma_start3A_170, %dma_start3A_171] : memref<100000x128xf32, #tpu.memory_space<hbm>> -> memref<100000x128xf32, #tpu.memory_space<hbm>>
    tpu.enqueue_indirect_dma source(%dma_start3A_172 : memref<100000x128xf32, #tpu.memory_space<hbm>>) target(%arg10 : memref<128x128xf32, #tpu.memory_space<vmem>>) offsets(%dma_start3A_169 : memref<128xi32, #tpu.memory_space<vmem>>) semaphore(%arg13 : memref<!tpu.dma_semaphore, #tpu.memory_space<semaphore_mem>>)
    %dma_wait3A_173 = arith.constant 2 : i32
    %dma_wait3A_174 = arith.constant 0 : i32
    %dma_wait3A_175 = tpu.memref_slice %arg9[%dma_wait3A_173, %dma_wait3A_174] : memref<4x128xi32, #tpu.memory_space<vmem>> -> memref<1x128xi32, #tpu.memory_space<vmem>>
    %dma_wait3A_176 = tpu.memref_squeeze %dma_wait3A_175 : memref<1x128xi32, #tpu.memory_space<vmem>> -> memref<128xi32, #tpu.memory_space<vmem>>
    %dma_wait3A_177 = arith.constant 0 : i32
    %dma_wait3A_178 = arith.constant 0 : i32
    %dma_wait3A_179 = tpu.memref_slice %arg4[%dma_wait3A_177, %dma_wait3A_178] : memref<100000x128xf32, #tpu.memory_space<hbm>> -> memref<100000x128xf32, #tpu.memory_space<hbm>>
    tpu.wait_indirect_dma semaphore(%arg14 : memref<!tpu.dma_semaphore, #tpu.memory_space<semaphore_mem>>) src(%dma_wait3A_179 : memref<100000x128xf32, #tpu.memory_space<hbm>>) dst(%arg11 : memref<128x128xf32, #tpu.memory_space<vmem>>)
    %add3A_180 = arith.constant 256 : i32
    %add3A_181 = arith.addi %mul3A_2, %add3A_180 : i32
    "tpu.region"() ({
      %run_scoped3A = tpu.sem_alloc : memref<!tpu.dma_semaphore, #tpu.memory_space<semaphore_mem>>
      %dma_start3A_219 = arith.constant 0 : i32
      %dma_start3A_220 = tpu.memref_slice %arg7[%add3A_181, %dma_start3A_219] : memref<16384x128xf32, #tpu.memory_space<hbm>> -> memref<128x128xf32, #tpu.memory_space<hbm>>
      %dma_start3A_221 = arith.constant 0 : i32
      %dma_start3A_222 = tpu.memref_slice %arg7[%add3A_181, %dma_start3A_221] : memref<16384x128xf32, #tpu.memory_space<hbm>> -> memref<128x128xf32, #tpu.memory_space<hbm>>
      tpu.enqueue_dma source(%arg11 : memref<128x128xf32, #tpu.memory_space<vmem>>) target(%dma_start3A_222 : memref<128x128xf32, #tpu.memory_space<hbm>>) target_semaphore(%run_scoped3A : memref<!tpu.dma_semaphore, #tpu.memory_space<semaphore_mem>>)
      %dma_wait3A_223 = arith.constant 0 : i32
      %dma_wait3A_224 = tpu.memref_slice %arg7[%add3A_181, %dma_wait3A_223] : memref<16384x128xf32, #tpu.memory_space<hbm>> -> memref<128x128xf32, #tpu.memory_space<hbm>>
      %dma_wait3A_225 = arith.constant 0 : i32
      %dma_wait3A_226 = tpu.memref_slice %arg7[%add3A_181, %dma_wait3A_225] : memref<16384x128xf32, #tpu.memory_space<hbm>> -> memref<128x128xf32, #tpu.memory_space<hbm>>
      tpu.wait_dma2 semaphore(%run_scoped3A : memref<!tpu.dma_semaphore, #tpu.memory_space<semaphore_mem>>) src(%arg11 : memref<128x128xf32, #tpu.memory_space<vmem>>) dst(%dma_wait3A_226 : memref<128x128xf32, #tpu.memory_space<hbm>>)
      tpu.yield
    }) : () -> ()
    %dma_start3A_182 = arith.constant 3 : i32
    %dma_start3A_183 = arith.constant 0 : i32
    %dma_start3A_184 = tpu.memref_slice %arg9[%dma_start3A_182, %dma_start3A_183] : memref<4x128xi32, #tpu.memory_space<vmem>> -> memref<1x128xi32, #tpu.memory_space<vmem>>
    %dma_start3A_185 = tpu.memref_squeeze %dma_start3A_184 : memref<1x128xi32, #tpu.memory_space<vmem>> -> memref<128xi32, #tpu.memory_space<vmem>>
    %dma_start3A_186 = arith.constant 0 : i32
    %dma_start3A_187 = arith.constant 0 : i32
    %dma_start3A_188 = tpu.memref_slice %arg4[%dma_start3A_186, %dma_start3A_187] : memref<100000x128xf32, #tpu.memory_space<hbm>> -> memref<100000x128xf32, #tpu.memory_space<hbm>>
    tpu.enqueue_indirect_dma source(%dma_start3A_188 : memref<100000x128xf32, #tpu.memory_space<hbm>>) target(%arg11 : memref<128x128xf32, #tpu.memory_space<vmem>>) offsets(%dma_start3A_185 : memref<128xi32, #tpu.memory_space<vmem>>) semaphore(%arg14 : memref<!tpu.dma_semaphore, #tpu.memory_space<semaphore_mem>>)
    %dma_wait3A_189 = arith.constant 3 : i32
    %dma_wait3A_190 = arith.constant 128 : i32
    %dma_wait3A_191 = arith.constant 0 : i32
    %dma_wait3A_192 = tpu.memref_slice %arg12[%dma_wait3A_190, %dma_wait3A_191] : memref<256x256xf32, #tpu.memory_space<vmem>> -> memref<128x256xf32, #tpu.memory_space<vmem>>
    %dma_wait3A_193 = arith.constant 0 : i32
    %dma_wait3A_194 = tpu.memref_slice %arg9[%dma_wait3A_189, %dma_wait3A_193] : memref<4x128xi32, #tpu.memory_space<vmem>> -> memref<1x128xi32, #tpu.memory_space<vmem>>
    %dma_wait3A_195 = tpu.memref_squeeze %dma_wait3A_194 : memref<1x128xi32, #tpu.memory_space<vmem>> -> memref<128xi32, #tpu.memory_space<vmem>>
    %dma_wait3A_196 = arith.constant 0 : i32
    %dma_wait3A_197 = arith.constant 0 : i32
    %dma_wait3A_198 = tpu.memref_slice %arg5[%dma_wait3A_196, %dma_wait3A_197] : memref<100000x256xf32, #tpu.memory_space<hbm>> -> memref<100000x256xf32, #tpu.memory_space<hbm>>
    tpu.wait_indirect_dma semaphore(%arg15 : memref<!tpu.dma_semaphore, #tpu.memory_space<semaphore_mem>>) src(%dma_wait3A_198 : memref<100000x256xf32, #tpu.memory_space<hbm>>) dst(%dma_wait3A_192 : memref<128x256xf32, #tpu.memory_space<vmem>>)
    %add3A_199 = arith.constant 384 : i32
    %add3A_200 = arith.addi %mul3A_2, %add3A_199 : i32
    "tpu.region"() ({
      %run_scoped3A = tpu.sem_alloc : memref<!tpu.dma_semaphore, #tpu.memory_space<semaphore_mem>>
      %dma_start3A_219 = arith.constant 128 : i32
      %dma_start3A_220 = arith.constant 0 : i32
      %dma_start3A_221 = tpu.memref_slice %arg12[%dma_start3A_219, %dma_start3A_220] : memref<256x256xf32, #tpu.memory_space<vmem>> -> memref<128x256xf32, #tpu.memory_space<vmem>>
      %dma_start3A_222 = arith.constant 0 : i32
      %dma_start3A_223 = tpu.memref_slice %arg8[%add3A_200, %dma_start3A_222] : memref<16384x256xf32, #tpu.memory_space<hbm>> -> memref<128x256xf32, #tpu.memory_space<hbm>>
      %dma_start3A_224 = arith.constant 0 : i32
      %dma_start3A_225 = tpu.memref_slice %arg8[%add3A_200, %dma_start3A_224] : memref<16384x256xf32, #tpu.memory_space<hbm>> -> memref<128x256xf32, #tpu.memory_space<hbm>>
      %dma_start3A_226 = arith.constant 128 : i32
      %dma_start3A_227 = arith.constant 0 : i32
      %dma_start3A_228 = tpu.memref_slice %arg12[%dma_start3A_226, %dma_start3A_227] : memref<256x256xf32, #tpu.memory_space<vmem>> -> memref<128x256xf32, #tpu.memory_space<vmem>>
      tpu.enqueue_dma source(%dma_start3A_228 : memref<128x256xf32, #tpu.memory_space<vmem>>) target(%dma_start3A_225 : memref<128x256xf32, #tpu.memory_space<hbm>>) target_semaphore(%run_scoped3A : memref<!tpu.dma_semaphore, #tpu.memory_space<semaphore_mem>>)
      %dma_wait3A_229 = arith.constant 128 : i32
      %dma_wait3A_230 = arith.constant 0 : i32
      %dma_wait3A_231 = tpu.memref_slice %arg12[%dma_wait3A_229, %dma_wait3A_230] : memref<256x256xf32, #tpu.memory_space<vmem>> -> memref<128x256xf32, #tpu.memory_space<vmem>>
      %dma_wait3A_232 = arith.constant 0 : i32
      %dma_wait3A_233 = tpu.memref_slice %arg8[%add3A_200, %dma_wait3A_232] : memref<16384x256xf32, #tpu.memory_space<hbm>> -> memref<128x256xf32, #tpu.memory_space<hbm>>
      %dma_wait3A_234 = arith.constant 0 : i32
      %dma_wait3A_235 = tpu.memref_slice %arg8[%add3A_200, %dma_wait3A_234] : memref<16384x256xf32, #tpu.memory_space<hbm>> -> memref<128x256xf32, #tpu.memory_space<hbm>>
      %dma_wait3A_236 = arith.constant 128 : i32
      %dma_wait3A_237 = arith.constant 0 : i32
      %dma_wait3A_238 = tpu.memref_slice %arg12[%dma_wait3A_236, %dma_wait3A_237] : memref<256x256xf32, #tpu.memory_space<vmem>> -> memref<128x256xf32, #tpu.memory_space<vmem>>
      tpu.wait_dma2 semaphore(%run_scoped3A : memref<!tpu.dma_semaphore, #tpu.memory_space<semaphore_mem>>) src(%dma_wait3A_238 : memref<128x256xf32, #tpu.memory_space<vmem>>) dst(%dma_wait3A_235 : memref<128x256xf32, #tpu.memory_space<hbm>>)
      tpu.yield
    }) : () -> ()
    %dma_wait3A_201 = arith.constant 3 : i32
    %dma_wait3A_202 = arith.constant 0 : i32
    %dma_wait3A_203 = tpu.memref_slice %arg9[%dma_wait3A_201, %dma_wait3A_202] : memref<4x128xi32, #tpu.memory_space<vmem>> -> memref<1x128xi32, #tpu.memory_space<vmem>>
    %dma_wait3A_204 = tpu.memref_squeeze %dma_wait3A_203 : memref<1x128xi32, #tpu.memory_space<vmem>> -> memref<128xi32, #tpu.memory_space<vmem>>
    %dma_wait3A_205 = arith.constant 0 : i32
    %dma_wait3A_206 = arith.constant 0 : i32
    %dma_wait3A_207 = tpu.memref_slice %arg3[%dma_wait3A_205, %dma_wait3A_206] : memref<100000x128xf32, #tpu.memory_space<hbm>> -> memref<100000x128xf32, #tpu.memory_space<hbm>>
    tpu.wait_indirect_dma semaphore(%arg13 : memref<!tpu.dma_semaphore, #tpu.memory_space<semaphore_mem>>) src(%dma_wait3A_207 : memref<100000x128xf32, #tpu.memory_space<hbm>>) dst(%arg10 : memref<128x128xf32, #tpu.memory_space<vmem>>)
    %add3A_208 = arith.constant 384 : i32
    %add3A_209 = arith.addi %mul3A_2, %add3A_208 : i32
    "tpu.region"() ({
      %run_scoped3A = tpu.sem_alloc : memref<!tpu.dma_semaphore, #tpu.memory_space<semaphore_mem>>
      %dma_start3A_219 = arith.constant 0 : i32
      %dma_start3A_220 = tpu.memref_slice %arg6[%add3A_209, %dma_start3A_219] : memref<16384x128xf32, #tpu.memory_space<hbm>> -> memref<128x128xf32, #tpu.memory_space<hbm>>
      %dma_start3A_221 = arith.constant 0 : i32
      %dma_start3A_222 = tpu.memref_slice %arg6[%add3A_209, %dma_start3A_221] : memref<16384x128xf32, #tpu.memory_space<hbm>> -> memref<128x128xf32, #tpu.memory_space<hbm>>
      tpu.enqueue_dma source(%arg10 : memref<128x128xf32, #tpu.memory_space<vmem>>) target(%dma_start3A_222 : memref<128x128xf32, #tpu.memory_space<hbm>>) target_semaphore(%run_scoped3A : memref<!tpu.dma_semaphore, #tpu.memory_space<semaphore_mem>>)
      %dma_wait3A_223 = arith.constant 0 : i32
      %dma_wait3A_224 = tpu.memref_slice %arg6[%add3A_209, %dma_wait3A_223] : memref<16384x128xf32, #tpu.memory_space<hbm>> -> memref<128x128xf32, #tpu.memory_space<hbm>>
      %dma_wait3A_225 = arith.constant 0 : i32
      %dma_wait3A_226 = tpu.memref_slice %arg6[%add3A_209, %dma_wait3A_225] : memref<16384x128xf32, #tpu.memory_space<hbm>> -> memref<128x128xf32, #tpu.memory_space<hbm>>
      tpu.wait_dma2 semaphore(%run_scoped3A : memref<!tpu.dma_semaphore, #tpu.memory_space<semaphore_mem>>) src(%arg10 : memref<128x128xf32, #tpu.memory_space<vmem>>) dst(%dma_wait3A_226 : memref<128x128xf32, #tpu.memory_space<hbm>>)
      tpu.yield
    }) : () -> ()
    %dma_wait3A_210 = arith.constant 3 : i32
    %dma_wait3A_211 = arith.constant 0 : i32
    %dma_wait3A_212 = tpu.memref_slice %arg9[%dma_wait3A_210, %dma_wait3A_211] : memref<4x128xi32, #tpu.memory_space<vmem>> -> memref<1x128xi32, #tpu.memory_space<vmem>>
    %dma_wait3A_213 = tpu.memref_squeeze %dma_wait3A_212 : memref<1x128xi32, #tpu.memory_space<vmem>> -> memref<128xi32, #tpu.memory_space<vmem>>
    %dma_wait3A_214 = arith.constant 0 : i32
    %dma_wait3A_215 = arith.constant 0 : i32
    %dma_wait3A_216 = tpu.memref_slice %arg4[%dma_wait3A_214, %dma_wait3A_215] : memref<100000x128xf32, #tpu.memory_space<hbm>> -> memref<100000x128xf32, #tpu.memory_space<hbm>>
    tpu.wait_indirect_dma semaphore(%arg14 : memref<!tpu.dma_semaphore, #tpu.memory_space<semaphore_mem>>) src(%dma_wait3A_216 : memref<100000x128xf32, #tpu.memory_space<hbm>>) dst(%arg11 : memref<128x128xf32, #tpu.memory_space<vmem>>)
    %add3A_217 = arith.constant 384 : i32
    %add3A_218 = arith.addi %mul3A_2, %add3A_217 : i32
    "tpu.region"() ({
      %run_scoped3A = tpu.sem_alloc : memref<!tpu.dma_semaphore, #tpu.memory_space<semaphore_mem>>
      %dma_start3A_219 = arith.constant 0 : i32
      %dma_start3A_220 = tpu.memref_slice %arg7[%add3A_218, %dma_start3A_219] : memref<16384x128xf32, #tpu.memory_space<hbm>> -> memref<128x128xf32, #tpu.memory_space<hbm>>
      %dma_start3A_221 = arith.constant 0 : i32
      %dma_start3A_222 = tpu.memref_slice %arg7[%add3A_218, %dma_start3A_221] : memref<16384x128xf32, #tpu.memory_space<hbm>> -> memref<128x128xf32, #tpu.memory_space<hbm>>
      tpu.enqueue_dma source(%arg11 : memref<128x128xf32, #tpu.memory_space<vmem>>) target(%dma_start3A_222 : memref<128x128xf32, #tpu.memory_space<hbm>>) target_semaphore(%run_scoped3A : memref<!tpu.dma_semaphore, #tpu.memory_space<semaphore_mem>>)
      %dma_wait3A_223 = arith.constant 0 : i32
      %dma_wait3A_224 = tpu.memref_slice %arg7[%add3A_218, %dma_wait3A_223] : memref<16384x128xf32, #tpu.memory_space<hbm>> -> memref<128x128xf32, #tpu.memory_space<hbm>>
      %dma_wait3A_225 = arith.constant 0 : i32
      %dma_wait3A_226 = tpu.memref_slice %arg7[%add3A_218, %dma_wait3A_225] : memref<16384x128xf32, #tpu.memory_space<hbm>> -> memref<128x128xf32, #tpu.memory_space<hbm>>
      tpu.wait_dma2 semaphore(%run_scoped3A : memref<!tpu.dma_semaphore, #tpu.memory_space<semaphore_mem>>) src(%arg11 : memref<128x128xf32, #tpu.memory_space<vmem>>) dst(%dma_wait3A_226 : memref<128x128xf32, #tpu.memory_space<hbm>>)
      tpu.yield
    }) : () -> ()
    return
  }
}

</mosaic_0001>

<sc_bundles>
// kernel: kernel.3.cloned.1.call-start
scs
__scs_entry_jumppad:
0x0: {  	(pc) =	sbr.rel $0x88, $3  }
0x1: {  	(tag) =	ssettag $0x0;
	lr =	simm.s32 $0x1  }
0x2: {  	[smem:$0x3F9D] =	sst lr;
	_ =	strace $0xD0000000  }
0x3: {  	_ = 	snop  }
0x4: {  	_ = 	snop  }
0x5: {  	_ = 	snop  }
0x6: {  	_ = 	snop  }
0x7: {  	_ = 	snop  }
__scs_overlays_trampoline_lowered:
0x8: {  	[smem:$0x3FAC] =	sst s0  }
0x9: {  	[smem:$0x3FAD] =	sst s1  }
0xa: {  	[smem:$0x3FAE] =	sst s2  }
0xb: {  	[smem:$0x3FAF] =	sst s3  }
0xc: {  	[smem:$0x3FB0] =	sst s4  }
0xd: {  	[smem:$0x3FB1] =	sst s5  }
0xe: {  	[smem:$0x3FB2] =	sst s6  }
0xf: {  	[smem:$0x3FB3] =	sst s7  }
0x10: {  	[smem:$0x3FB4] =	sst s8  }
0x11: {  	[smem:$0x3FB5] =	sst s9;
	s0 =	simm.s32 @!p0 $0x0  }
0x12: {  	s1 =	sld [smem:$0x3F9B];
	s0 =	simm.s32 @p0 $0x1  }
0x13: {  	[smem:$0x3FB6] =	sst s0;
	s0 =	simm.s32 @!p1 $0x0  }
0x14: {  	s2 =	sld [smem:$0x3F9A];
	s0 =	simm.s32 @p1 $0x1  }
0x15: {  	[smem:$0x3FB7] =	sst s0;
	s0 =	simm.s32 @!p2 $0x0  }
0x16: {  	s3 =	sld [smem:$0x3FDB];
	s0 =	simm.s32 @p2 $0x1  }
0x17: {  	s4 =	simm.s32 $0x1BF5;
	[smem:$0x3FB9] =	sst s0  }
0x18: {  	s0 =	sld [smem:$0x3F9C];
	_ =	swait.ge [sflag:s4], $0x0  }
0x19: {  	s7 =	sld [smem:$0x3F9D]  }
0x1a: {  	s8 =	sadd.s32 $0xFFFFE003, lr  }
0x1b: {  	s9 =	sadd.s32 $0xFFFFFEF7, lr;
	s5 =	simm.s32 $0xFFFFFFFF;
	p2 =	slt.u32 s8, $0xFFFFF086  }
0x1c: {  	p1 =	slt.u32 s9, $0xF7A;
	s5 =	simm.s32 @!p2 $0x0  }
0x1d: {  	s5 =	simm.s32 @p1 $0x1;
	p0 =	seq.s32 s7, s2  }
0x1e: {  	s7 =	smul.u32 @!p0 $0xF7A, s2;
	p2 =	seq.s32 @!p0 s5, $0x0  }
0x1f: {  	s9 =	smul.u32 $0xF7A, s1;
	s8 =	simm.s32 @!p0 $0x1BF5;
	p2 =	por !p2, p0  }
0x20: {  	[sflag:s8] =	ssyncset.s32 @!p0 $0xFFFFF086;
	s6 =	sadd.s32 @!p0 s3, s7;
	s7 =	simm.s32 @!p0 $0x108  }
0x21: {  	s3 =	sadd.s32 s3, s9;
	s6 =	sadd.s32 @!p0 $0x88, s6;
	s7 =	simm.s32 @p2 $0x1082  }
0x22: {  	[simem:s7], [sflag:s8] =	dma.local @!p0 [hbm:s6], $0xF7A  }
0x23: {  	s9 =	sor.u32 $0xD0000000, s2;
	s6 =	simm.s32 $0x108;
	_ =	swait.ge @!p0 [sflag:s8], $0x0  }
0x24: {  	s3 =	sadd.s32 $0x88, s3;
	s6 =	simm.s32 @!p1 $0x1082;
	[sflag:s4] =	ssyncset.s32 $0xFFFFF086  }
0x25: {  	[simem:s6], [sflag:s4] =	dma.local [hbm:s3], $0xF7A  }
0x26: {  	[smem:$0x3F9D] =	sst s1;
	(tag) =	ssettag s2;
	_ =	strace s9  }
0x27: {  	s1 =	sld [smem:$0x3FAD]  }
0x28: {  	s2 =	sld [smem:$0x3FAE]  }
0x29: {  	s4 =	sld [smem:$0x3FB0]  }
0x2a: {  	p0 =	seq.s32 s5, $0x0;
	s5 =	sld [smem:$0x3FB1]  }
0x2b: {  	s6 =	sld [smem:$0x3FB2]  }
0x2c: {  	s7 =	sld [smem:$0x3FB3]  }
0x2d: {  	s3 =	simm.s32 $0x108;
	s8 =	sld [smem:$0x3FB4]  }
0x2e: {  	s3 =	simm.s32 @!p0 $0x1082;
	s9 =	sld [smem:$0x3FB5]  }
0x2f: {  	lr =	sadd.s32 s0, s3;
	s0 =	sld [smem:$0x3FAC]  }
0x30: {  	s3 =	sld [smem:$0x3FAF]  }
0x31: {  	[smem:$0x3FB8] =	sst s10  }
0x32: {  	s10 =	sld [smem:$0x3FB6];
	_ =	sdelay $0x3  }
0x33: {  	p0 =	seq.s32 s10, $0x1;
	s10 =	sld [smem:$0x3FB8];
	_ =	sdelay $0x3  }
0x34: {  	[smem:$0x3FB8] =	sst s10  }
0x35: {  	s10 =	sld [smem:$0x3FB7];
	_ =	sdelay $0x3  }
0x36: {  	p1 =	seq.s32 s10, $0x1;
	s10 =	sld [smem:$0x3FB8];
	_ =	sdelay $0x3  }
0x37: {  	[smem:$0x3FB8] =	sst s10  }
0x38: {  	s10 =	sld [smem:$0x3FB9]  }
0x39: {  	_ = 	snop;
	(pc) =	sbr.ind lr, $3  }
0x3a: {  	_ = 	snop  }
0x3b: {  	_ = 	snop  }
0x3c: {  	p2 =	seq.s32 s10, $0x1;
	s10 =	sld [smem:$0x3FB8]  }
0x3d: {  	_ =	shalt  }
0x3e: {  	_ =	shalt  }
0x3f: {  	_ =	shalt  }
0x40: {  	_ =	shalt  }
0x41: {  	_ =	shalt  }
0x42: {  	_ =	shalt  }
0x43: {  	_ =	shalt  }
0x44: {  	_ =	shalt  }
0x45: {  	_ =	shalt  }
0x46: {  	_ =	shalt  }
0x47: {  	_ =	shalt  }
0x48: {  	_ =	shalt  }
0x49: {  	_ =	shalt  }
0x4a: {  	_ =	shalt  }
0x4b: {  	_ =	shalt  }
0x4c: {  	_ =	shalt  }
0x4d: {  	_ =	shalt  }
0x4e: {  	_ =	shalt  }
0x4f: {  	_ =	shalt  }
0x50: {  	_ =	shalt  }
0x51: {  	_ =	shalt  }
0x52: {  	_ =	shalt  }
0x53: {  	_ =	shalt  }
0x54: {  	_ =	shalt  }
0x55: {  	_ =	shalt  }
0x56: {  	_ =	shalt  }
0x57: {  	_ =	shalt  }
0x58: {  	_ =	shalt  }
0x59: {  	_ =	shalt  }
0x5a: {  	_ =	shalt  }
0x5b: {  	_ =	shalt  }
0x5c: {  	_ =	shalt  }
0x5d: {  	_ =	shalt  }
0x5e: {  	_ =	shalt  }
0x5f: {  	_ =	shalt  }
0x60: {  	_ =	shalt  }
0x61: {  	_ =	shalt  }
0x62: {  	_ =	shalt  }
0x63: {  	_ =	shalt  }
0x64: {  	_ =	shalt  }
0x65: {  	_ =	shalt  }
0x66: {  	_ =	shalt  }
0x67: {  	_ =	shalt  }
0x68: {  	_ =	shalt  }
0x69: {  	_ =	shalt  }
0x6a: {  	_ =	shalt  }
0x6b: {  	_ =	shalt  }
0x6c: {  	_ =	shalt  }
0x6d: {  	_ =	shalt  }
0x6e: {  	_ =	shalt  }
0x6f: {  	_ =	shalt  }
0x70: {  	_ =	shalt  }
0x71: {  	_ =	shalt  }
0x72: {  	_ =	shalt  }
0x73: {  	_ =	shalt  }
0x74: {  	_ =	shalt  }
0x75: {  	_ =	shalt  }
0x76: {  	_ =	shalt  }
0x77: {  	_ =	shalt  }
0x78: {  	_ =	shalt  }
0x79: {  	_ =	shalt  }
0x7a: {  	_ =	shalt  }
0x7b: {  	_ =	shalt  }
0x7c: {  	_ =	shalt  }
0x7d: {  	_ =	shalt  }
0x7e: {  	_ =	shalt  }
0x7f: {  	_ =	shalt  }
0x80: {  	_ =	shalt  }
0x81: {  	_ =	shalt  }
0x82: {  	_ =	shalt  }
0x83: {  	_ =	shalt  }
0x84: {  	_ =	shalt  }
0x85: {  	_ =	shalt  }
0x86: {  	_ =	shalt  }
0x87: {  	_ =	shalt  }
.Lfunc_end0:
.L_simem_size_0:
called_computation_lowered:
.L_overlay_start_0:
0x88: {  	s2 =	sld [smem:$0x3FD9]  }
0x89: {  	s3 =	sld [smem:$0x3FFE];
	_ =	sdelay $0x1  }
0x8a: {  	s1 =	srdreg.scid  }
0x8b: {  	s0 =	sand.u32 $0x1, s1  }
0x8c: {  	s17 =	sshll.u32 s0, $0xA;
	s2 =	sadd.s32 s3, s2  }
0x8d: {  	s2 =	sadd.s32 s2, s17  }
0x8e: {  	[smem:$0x3FC4] =	sst s2  }
0x8f: {  	_ = 	snop  }
0x90: {  	s2 =	sld [smem:$0x3FC9]  }
0x91: {  	s18 =	sld [smem:$0x3FD0];
	(tm) =	ssettm $0x1  }
0x92: {  	s4 =	sld [smem:$0x3FFB];
	_ =	sdelay $0x3  }
0x93: {  	_ =	strace s4  }
0x94: {  	s4 =	sld [smem:$0x3FFC];
	_ =	sdelay $0x3  }
0x95: {  	_ =	strace s4  }
0x96: {  	s4 =	sld [smem:$0x3FFD];
	_ =	sdelay $0x3  }
0x97: {  	_ =	strace s4  }
0x98: {  	_ =	strace $0x8FFFFFFF  }
0x99: {  	s19 =	sld [smem:$0x3FDB];
	_ =	sdelay $0x1  }
0x9a: {  	s5 =	simm.s32 $_scs_section_size  }
0x9b: {  	s6 =	simm.s32 $_size__tile_overlayer_lowered;
	s7 =	simm.s32 $_tile_overlayer_lowered  }
0x9c: {  	s22 =	simm.s32 $0x1BFF;
	s21 =	sshll.u32 s7, $0x1;
	s4 =	sadd.s32 s5, s19  }
0x9d: {  	s8 =	simm.s32 $0x0;
	s20 =	sshll.u32 s6, $0x1;
	s6 =	sadd.s32 s21, s4  }
0x9e: {  	[timem:s8], [sflag:s22] =	dma.local [hbm:s6], s20  }
0x9f: {  	_ =	swait.ge [sflag:s22], s20  }
0xa0: {  	s5 =	ssub.s32 $0x0, s20;
	[sflag:s22] =	ssyncset.done $0x0  }
0xa1: {  	[sflag:s22] =	ssyncadd.s32 s5;
	_ =	sdelay $0x1  }
0xa2: {  	s23 =	simm.s32 $0x1B8B  }
0xa3: {  	_ =	swait.ge [sflag:s23], $0x1  }
0xa4: {  	[sflag:s23] =	ssyncset.done $0x0  }
0xa5: {  	s25 =	simm.s32 $0x1B8E;
	s24 =	sld [smem:$0x3FFE];
	[sflag:s23] =	ssyncadd.s32 $0xFFFFFFFF  }
0xa6: {  	s26 =	simm.s32 $execute0_lowered;
	[smem:$0x3FD2] =	sst s25  }
0xa7: {  	s6 =	sshll.u32 s26, $0x1;
	_ =	strace $0x80000046;
	[dreg:$0x1] =	wrdreg $0xFFFFFFFF  }
0xa8: {  	s28 =	simm.s32 $_size_execute0_lowered;
	s4 =	sadd.s32 s4, s6;
	[dreg:$0x0] =	wrdreg $0x0  }
0xa9: {  	s6 =	sshll.u32 s28, $0x1;
	[dreg:$0x2] =	wrdreg s4  }
0xaa: {  	[dreg:$0x3] =	wrdreg s6  }
0xab: {  	[dreg:$0x4] =	wrdreg $0xC0  }
0xac: {  	_ =	task [dreg:s8], $0x5FFFF  }
0xad: {  	[dreg:$0x1] =	wrdreg $0xFFFFFFFF  }
0xae: {  	[dreg:$0x0] =	wrdreg $0x60  }
0xaf: {  	[dreg:$0x2] =	wrdreg s2  }
0xb0: {  	[dreg:$0x3] =	wrdreg s24  }
0xb1: {  	[dreg:$0x4] =	wrdreg s18  }
0xb2: {  	[dreg:$0x5] =	wrdreg $0x9  }
0xb3: {  	_ =	task.clear_ibuf [dreg:s8], $0x6FFFF;
	_ =	strace $0x90000046  }
0xb4: {  	s29 =	simm.s32 $0x9;
	_ =	strace $0x80000048  }
0xb5: {  	_ =	swait.ge [sflag:s29], $0x1  }
0xb6: {  	[sflag:s29] =	ssyncadd.s32 $0xFFFFFFFF  }
0xb7: {  	_ =	strace $0x90000048  }
0xb8: {  	_ =	sfence  }
0xb9: {  	s30 =	sld [smem:$0x0];
	_ =	sdelay $0x2  }
0xba: {  	s31 =	sshll.u32 s1, $0xD;
	s1 =	sshrl.u32 s1, $0x2  }
0xbb: {  	s3 =	sand.u32 $0x4000, s31;
	s1 =	sadd.s32 s1, s30  }
0xbc: {  	s0 =	sor.u32 s3, s0;
	s1 =	sshll.u32 s1, $0x11  }
0xbd: {  	s0 =	sor.u32 s1, s0  }
0xbe: {  	s0 =	sadd.s32 $0x8F2B, s0  }
0xbf: {  	[sflag:s0] =	ssyncadd.remote.s32 $0x1  }
0xc0: {  	_ =	sfence.sel $0xFFFF  }
0xc1: {  	[dreg:$0x0] =	wrdreg $0xFFFFFFFF;
	(pc) =	sbr.abs _section_cstart, $3  }
0xc2: {  	[dreg:$0x1] =	wrdreg $0xFFFFFFFF  }
0xc3: {  	_ =	task.clear_ibuf [dreg:s8], $0x2FFFF;
	_ =	strace $0x9FFFFFFF  }
0xc4: {  	(tm) =	ssettm $0x7FFFFFFF  }
0xc5: {  	_ =	shalt  }
tec
execute0_lowered:
.L_overlay_start_1:
0x0: {  	(tag) =	ssettag $0x1  }
0x1: {  	s0 =	rddreg [dreg:$0x0]  }
0x2: {  	s2 =	rddreg [dreg:$0x1]  }
0x3: {  	s5 =	rddreg [dreg:$0x2]  }
0x4: {  	s1 =	simm.s32 $0x0;
	s4 =	srdreg.scid;
	s9 =	stileid.u32  }
0x5: {  	s30 =	simm.s32 $0x8A00;
	s31 =	simm.s32 $0x9200;
	[smem:$0x7FF] =	sst s1  }
0x6: {  	s8 =	sadd.s32 $0x30F800, s2;
	s6 =	sand.u32 $0x1, s4;
	s4 =	sadd.s32 $0x2400, s2  }
0x7: {  	s3 =	sshll.u32 s9, $0x1;
	s9 =	sshll.u32 s9, $0x7;
	_ =	strace $0x80000047  }
0x8: {  	s7 =	sshll.u32 s6, $0x6;
	s3 =	sor.u32 s6, s3;
	s6 =	ssub.s32 $0x2, s6  }
0x9: {  	s0 =	sadd.s32 s0, s7;
	s7 =	sadd.s32 $0x188E00, s2;
	s25 =	sshll.u32 s3, $0xE  }
0xa: {  	s10 =	sshll.u32 s3, $0xD;
	s3 =	sshll.u32 s3, $0x6;
	s0 =	sadd.s32 s9, s0  }
0xb: {  	s9 =	sadd.s32 $0x1C8E00, s2;
	s26 =	sadd.s32 s7, s10;
	s11 =	sor.u32 $0x10, s3  }
0xc: {  	s15 =	sor.u32 $0x20, s3;
	s3 =	sor.u32 $0x30, s3;
	[dreg:$0x4] =	wrdreg s0  }
0xd: {  	s0 =	sadd.s32 s5, s25;
	[dreg:$0x6] =	wrdreg s26;
	s28 =	sadd.s32 s9, s10  }
0xe: {  	s29 =	sshll.u32 s11, $0x8;
	s13 =	sshll.u32 s11, $0x7;
	s17 =	sshll.u32 s15, $0x8  }
0xf: {  	s19 =	sshll.u32 s15, $0x7;
	s22 =	sshll.u32 s3, $0x8;
	s24 =	sshll.u32 s3, $0x7  }
0x10: {  	s26 =	sshrl.u32 s6, $0x1;
	s10 =	simm.s32 $0xB200;
	s11 =	simm.s32 $0xBA00  }
0x11: {  	s15 =	simm.s32 $0xDA00;
	s3 =	simm.s32 $0x10200;
	[dreg:$0x5] =	wrdreg s0  }
0x12: {  	[dreg:$0x7] =	wrdreg s28;
	s12 =	sadd.s32 s5, s29;
	s14 =	sadd.s32 s7, s13  }
0x13: {  	s16 =	sadd.s32 s9, s13;
	s18 =	sadd.s32 s5, s17;
	[dreg:$0x8] =	wrdreg s12  }
0x14: {  	s20 =	sadd.s32 s7, s19;
	s21 =	sadd.s32 s9, s19;
	[dreg:$0x9] =	wrdreg s14  }
0x15: {  	s23 =	sadd.s32 s5, s22;
	s25 =	sadd.s32 s7, s24;
	[dreg:$0xa] =	wrdreg s16  }
0x16: {  	s28 =	sadd.s32 s9, s24;
	s5 =	sadd.s32 $0x496200, s2;
	[dreg:$0xb] =	wrdreg s18  }
0x17: {  	s29 =	ssub.s32 s6, s26;
	s7 =	simm.s32 $0x4;
	[dreg:$0xc] =	wrdreg s20  }
0x18: {  	s24 =	simm.s32 $0x80;
	s26 =	simm.s32 $0x4200;
	[dreg:$0xd] =	wrdreg s21  }
0x19: {  	s19 =	simm.s32 $0x3;
	s2 =	simm.s32 $0xA200;
	[dreg:$0xe] =	wrdreg s23  }
0x1a: {  	s9 =	simm.s32 $0xAA00;
	s13 =	simm.s32 $0xCA00;
	[dreg:$0xf] =	wrdreg s25  }
0x1b: {  	s17 =	simm.s32 $0xEA00;
	s22 =	simm.s32 $0xFA00;
	[dreg:$0x10] =	wrdreg s28  }
0x1c: {  	v2 =	vlaneseq.u32;
	s6 =	smax.u32 s29, $0x1;
	s25 =	simm.s32 $0x200;
	s20 =	simm.s32 $0x1  }
0x1d: {  	vm0 =	vmmov $0xffff;
	v1 =	vshrl.u32 v2, $0x3;
	s21 =	simm.s32 $0x2;
	s12 =	simm.s32 $0xC200;
	s14 =	simm.s32 $0xD200  }
0x1e: {  	v0 =	vand.u32 $0x7, v2;
	v2 =	vor.u32 $0x8, v2;
	v1 =	vmul.u32 $0x8, v1;
	s16 =	simm.s32 $0xE200;
	s18 =	simm.s32 $0xF200;
	s23 =	simm.s32 $0x10A00  }
.LBB2_1:
0x1f: {  	s29 =	rddreg [dreg:$0x4]  }
0x20: {  	[tilespmem:s1], [sflag:$0x4] =	stream.linear.gather [hbm4b:s29+s1], $0x200, $0x38;
	[tilespmem:$0x18200] =	vst v63  }
0x21: {  	_ =	swait.ge [sflag:s7], $0x200  }
0x22: {  	[sflag:s7] =	ssyncset.done $0x0  }
0x23: {  	[sflag:s7] =	ssyncadd.s32 $0xFFFFFE00  }
0x24: {  	v3 =	vld [tilespmem:$0x0];
	_ =	sdelay $0x4  }
0x25: {  	v4 =	vshll.u32 v3, $0x1  }
0x26: {  	v3 =	vand.u32 $0x7, v3;
	v4 =	vand.u32 $0xFFFFFFF0, v4  }
0x27: {  	v3 =	vor.u32 v3, v4  }
0x28: {  	v4 =	vperm.xlane v3, v0;
	_ =	sdelay $0x1  }
0x29: {  	v3 =	vperm.xlane v3, v2;
	v4 =	vadd.s32 v1, v4;
	_ =	sdelay $0x1  }
0x2a: {  	v3 =	vadd.s32 v1, v3;
	_ =	sdelay $0x1  }
0x2b: {  	s0 =	simm.s32 $0x8200  }
0x2c: {  	[tilespmem:s0], [sflag:$0x3] =	stream.indirect_vreg.gather [hbm4b:s5+s1], $0x80, v4, vm0, $0xb8;
	[tilespmem:$0x18200] =	vst v63  }
0x2d: {  	_ = 	snop  }
0x2e: {  	[tilespmem:s30], [sflag:$0x3] =	stream.indirect_vreg.gather [hbm4b:s5+s1], $0x80, v3, vm0, $0xb8;
	[tilespmem:$0x18200] =	vst v63  }
0x2f: {  	v3 =	vld [tilespmem:$0x10];
	_ =	sdelay $0x4  }
0x30: {  	v33 =	vshll.u32 v3, $0x1  }
0x31: {  	v3 =	vand.u32 $0x7, v3;
	v4 =	vand.u32 $0xFFFFFFF0, v33  }
0x32: {  	v3 =	vor.u32 v3, v4  }
0x33: {  	v4 =	vperm.xlane v3, v0;
	_ =	sdelay $0x1  }
0x34: {  	v3 =	vperm.xlane v3, v2;
	v4 =	vadd.s32 v1, v4;
	_ =	sdelay $0x1  }
0x35: {  	v3 =	vadd.s32 v1, v3;
	_ =	sdelay $0x2  }
0x36: {  	[tilespmem:s31], [sflag:$0x3] =	stream.indirect_vreg.gather [hbm4b:s5+s1], $0x80, v4, vm0, $0xb8;
	[tilespmem:$0x18200] =	vst v63  }
0x37: {  	s0 =	simm.s32 $0x9A00  }
0x38: {  	[tilespmem:s0], [sflag:$0x3] =	stream.indirect_vreg.gather [hbm4b:s5+s1], $0x80, v3, vm0, $0xb8;
	[tilespmem:$0x18200] =	vst v63  }
0x39: {  	v3 =	vld [tilespmem:$0x20];
	_ =	sdelay $0x4  }
0x3a: {  	v34 =	vshll.u32 v3, $0x1  }
0x3b: {  	v3 =	vand.u32 $0x7, v3;
	v4 =	vand.u32 $0xFFFFFFF0, v34  }
0x3c: {  	v3 =	vor.u32 v3, v4  }
0x3d: {  	v4 =	vperm.xlane v3, v0;
	_ =	sdelay $0x1  }
0x3e: {  	v3 =	vperm.xlane v3, v2;
	v4 =	vadd.s32 v1, v4;
	_ =	sdelay $0x1  }
0x3f: {  	v3 =	vadd.s32 v1, v3;
	_ =	sdelay $0x2  }
0x40: {  	[tilespmem:s2], [sflag:$0x3] =	stream.indirect_vreg.gather [hbm4b:s5+s1], $0x80, v4, vm0, $0xb8;
	[tilespmem:$0x18200] =	vst v63  }
0x41: {  	_ = 	snop  }
0x42: {  	[tilespmem:s9], [sflag:$0x3] =	stream.indirect_vreg.gather [hbm4b:s5+s1], $0x80, v3, vm0, $0xb8;
	[tilespmem:$0x18200] =	vst v63  }
0x43: {  	v3 =	vld [tilespmem:$0x30];
	_ =	sdelay $0x4  }
0x44: {  	v35 =	vshll.u32 v3, $0x1  }
0x45: {  	v3 =	vand.u32 $0x7, v3;
	v4 =	vand.u32 $0xFFFFFFF0, v35  }
0x46: {  	v3 =	vor.u32 v3, v4  }
0x47: {  	v4 =	vperm.xlane v3, v0;
	_ =	sdelay $0x1  }
0x48: {  	v3 =	vperm.xlane v3, v2;
	v4 =	vadd.s32 v1, v4;
	_ =	sdelay $0x1  }
0x49: {  	v3 =	vadd.s32 v1, v3;
	_ =	sdelay $0x2  }
0x4a: {  	[tilespmem:s10], [sflag:$0x3] =	stream.indirect_vreg.gather [hbm4b:s5+s1], $0x80, v4, vm0, $0xb8;
	[tilespmem:$0x18200] =	vst v63  }
0x4b: {  	_ = 	snop  }
0x4c: {  	[tilespmem:s11], [sflag:$0x3] =	stream.indirect_vreg.gather [hbm4b:s5+s1], $0x80, v3, vm0, $0xb8;
	[tilespmem:$0x18200] =	vst v63  }
0x4d: {  	v3 =	vld [tilespmem:$0x40];
	_ =	sdelay $0x4  }
0x4e: {  	v36 =	vshll.u32 v3, $0x1  }
0x4f: {  	v3 =	vand.u32 $0x7, v3;
	v4 =	vand.u32 $0xFFFFFFF0, v36  }
0x50: {  	v3 =	vor.u32 v3, v4  }
0x51: {  	v4 =	vperm.xlane v3, v0;
	_ =	sdelay $0x1  }
0x52: {  	v3 =	vperm.xlane v3, v2;
	v4 =	vadd.s32 v1, v4;
	_ =	sdelay $0x1  }
0x53: {  	v3 =	vadd.s32 v1, v3;
	_ =	sdelay $0x2  }
0x54: {  	[tilespmem:s12], [sflag:$0x3] =	stream.indirect_vreg.gather [hbm4b:s5+s1], $0x80, v4, vm0, $0xb8;
	[tilespmem:$0x18200] =	vst v63  }
0x55: {  	_ = 	snop  }
0x56: {  	[tilespmem:s13], [sflag:$0x3] =	stream.indirect_vreg.gather [hbm4b:s5+s1], $0x80, v3, vm0, $0xb8;
	[tilespmem:$0x18200] =	vst v63  }
0x57: {  	v3 =	vld [tilespmem:$0x50];
	_ =	sdelay $0x4  }
0x58: {  	v37 =	vshll.u32 v3, $0x1  }
0x59: {  	v3 =	vand.u32 $0x7, v3;
	v4 =	vand.u32 $0xFFFFFFF0, v37  }
0x5a: {  	v3 =	vor.u32 v3, v4  }
0x5b: {  	v4 =	vperm.xlane v3, v0;
	_ =	sdelay $0x1  }
0x5c: {  	v3 =	vperm.xlane v3, v2;
	v4 =	vadd.s32 v1, v4;
	_ =	sdelay $0x1  }
0x5d: {  	v3 =	vadd.s32 v1, v3;
	_ =	sdelay $0x2  }
0x5e: {  	[tilespmem:s14], [sflag:$0x3] =	stream.indirect_vreg.gather [hbm4b:s5+s1], $0x80, v4, vm0, $0xb8;
	[tilespmem:$0x18200] =	vst v63  }
0x5f: {  	_ = 	snop  }
0x60: {  	[tilespmem:s15], [sflag:$0x3] =	stream.indirect_vreg.gather [hbm4b:s5+s1], $0x80, v3, vm0, $0xb8;
	[tilespmem:$0x18200] =	vst v63  }
0x61: {  	v3 =	vld [tilespmem:$0x60];
	_ =	sdelay $0x4  }
0x62: {  	v38 =	vshll.u32 v3, $0x1  }
0x63: {  	v3 =	vand.u32 $0x7, v3;
	v4 =	vand.u32 $0xFFFFFFF0, v38  }
0x64: {  	v3 =	vor.u32 v3, v4  }
0x65: {  	v4 =	vperm.xlane v3, v0;
	_ =	sdelay $0x1  }
0x66: {  	v3 =	vperm.xlane v3, v2;
	v4 =	vadd.s32 v1, v4;
	_ =	sdelay $0x1  }
0x67: {  	v3 =	vadd.s32 v1, v3;
	_ =	sdelay $0x2  }
0x68: {  	[tilespmem:s16], [sflag:$0x3] =	stream.indirect_vreg.gather [hbm4b:s5+s1], $0x80, v4, vm0, $0xb8;
	[tilespmem:$0x18200] =	vst v63  }
0x69: {  	_ = 	snop  }
0x6a: {  	[tilespmem:s17], [sflag:$0x3] =	stream.indirect_vreg.gather [hbm4b:s5+s1], $0x80, v3, vm0, $0xb8;
	[tilespmem:$0x18200] =	vst v63  }
0x6b: {  	v3 =	vld [tilespmem:$0x70];
	_ =	sdelay $0x4  }
0x6c: {  	v39 =	vshll.u32 v3, $0x1  }
0x6d: {  	v3 =	vand.u32 $0x7, v3;
	v4 =	vand.u32 $0xFFFFFFF0, v39  }
0x6e: {  	v3 =	vor.u32 v3, v4  }
0x6f: {  	v4 =	vperm.xlane v3, v0;
	_ =	sdelay $0x1  }
0x70: {  	v3 =	vperm.xlane v3, v2;
	v4 =	vadd.s32 v1, v4;
	_ =	sdelay $0x1  }
0x71: {  	v3 =	vadd.s32 v1, v3;
	_ =	sdelay $0x2  }
0x72: {  	[tilespmem:s18], [sflag:$0x3] =	stream.indirect_vreg.gather [hbm4b:s5+s1], $0x80, v4, vm0, $0xb8;
	[tilespmem:$0x18200] =	vst v63  }
0x73: {  	_ = 	snop  }
0x74: {  	[tilespmem:s22], [sflag:$0x3] =	stream.indirect_vreg.gather [hbm4b:s5+s1], $0x80, v3, vm0, $0xb8;
	[tilespmem:$0x18200] =	vst v63  }
0x75: {  	_ = 	snop  }
0x76: {  	[tilespmem:s25], [sflag:$0x1] =	stream.indirect.gather [hbm4b:s8+s24], $0x80, s1, s24, $0xb8;
	[tilespmem:$0x18200] =	vst v63  }
0x77: {  	_ = 	snop  }
0x78: {  	[tilespmem:s26], [sflag:$0x2] =	stream.indirect.gather [hbm4b:s4+s24], $0x80, s1, s24, $0xb8;
	[tilespmem:$0x18200] =	vst v63  }
0x79: {  	v3 =	vld [tilespmem:$0x80];
	_ =	sdelay $0x4  }
0x7a: {  	v40 =	vshll.u32 v3, $0x1  }
0x7b: {  	v3 =	vand.u32 $0x7, v3;
	v4 =	vand.u32 $0xFFFFFFF0, v40  }
0x7c: {  	v3 =	vor.u32 v3, v4  }
0x7d: {  	v4 =	vperm.xlane v3, v0;
	_ =	sdelay $0x1  }
0x7e: {  	v3 =	vperm.xlane v3, v2;
	v4 =	vadd.s32 v1, v4;
	_ =	sdelay $0x1  }
0x7f: {  	v3 =	vadd.s32 v1, v3;
	_ =	sdelay $0x2  }
0x80: {  	[tilespmem:s3], [sflag:$0x3] =	stream.indirect_vreg.gather [hbm4b:s5+s1], $0x80, v4, vm0, $0xb8;
	[tilespmem:$0x18200] =	vst v63  }
0x81: {  	_ = 	snop  }
0x82: {  	[tilespmem:s23], [sflag:$0x3] =	stream.indirect_vreg.gather [hbm4b:s5+s1], $0x80, v3, vm0, $0xb8;
	[tilespmem:$0x18200] =	vst v63  }
0x83: {  	v3 =	vld [tilespmem:$0x90];
	_ =	sdelay $0x4  }
0x84: {  	v41 =	vshll.u32 v3, $0x1  }
0x85: {  	v3 =	vand.u32 $0x7, v3;
	v4 =	vand.u32 $0xFFFFFFF0, v41  }
0x86: {  	v3 =	vor.u32 v3, v4  }
0x87: {  	v4 =	vperm.xlane v3, v0;
	_ =	sdelay $0x1  }
0x88: {  	v3 =	vperm.xlane v3, v2;
	v4 =	vadd.s32 v1, v4;
	_ =	sdelay $0x1  }
0x89: {  	v3 =	vadd.s32 v1, v3;
	_ =	sdelay $0x1  }
0x8a: {  	s28 =	simm.s32 $0x11200  }
0x8b: {  	[tilespmem:s28], [sflag:$0x3] =	stream.indirect_vreg.gather [hbm4b:s5+s1], $0x80, v4, vm0, $0xb8;
	[tilespmem:$0x18200] =	vst v63  }
0x8c: {  	s29 =	simm.s32 $0x11A00  }
0x8d: {  	[tilespmem:s29], [sflag:$0x3] =	stream.indirect_vreg.gather [hbm4b:s5+s1], $0x80, v3, vm0, $0xb8;
	[tilespmem:$0x18200] =	vst v63  }
0x8e: {  	v3 =	vld [tilespmem:$0xA0];
	_ =	sdelay $0x4  }
0x8f: {  	v42 =	vshll.u32 v3, $0x1  }
0x90: {  	v3 =	vand.u32 $0x7, v3;
	v4 =	vand.u32 $0xFFFFFFF0, v42  }
0x91: {  	v3 =	vor.u32 v3, v4  }
0x92: {  	v4 =	vperm.xlane v3, v0;
	_ =	sdelay $0x1  }
0x93: {  	v3 =	vperm.xlane v3, v2;
	v4 =	vadd.s32 v1, v4;
	_ =	sdelay $0x1  }
0x94: {  	v3 =	vadd.s32 v1, v3;
	_ =	sdelay $0x1  }
0x95: {  	s29 =	simm.s32 $0x12200  }
0x96: {  	[tilespmem:s29], [sflag:$0x3] =	stream.indirect_vreg.gather [hbm4b:s5+s1], $0x80, v4, vm0, $0xb8;
	[tilespmem:$0x18200] =	vst v63  }
0x97: {  	s29 =	simm.s32 $0x12A00  }
0x98: {  	[tilespmem:s29], [sflag:$0x3] =	stream.indirect_vreg.gather [hbm4b:s5+s1], $0x80, v3, vm0, $0xb8;
	[tilespmem:$0x18200] =	vst v63  }
0x99: {  	v3 =	vld [tilespmem:$0xB0];
	_ =	sdelay $0x4  }
0x9a: {  	v43 =	vshll.u32 v3, $0x1  }
0x9b: {  	v3 =	vand.u32 $0x7, v3;
	v4 =	vand.u32 $0xFFFFFFF0, v43  }
0x9c: {  	v3 =	vor.u32 v3, v4  }
0x9d: {  	v4 =	vperm.xlane v3, v0;
	_ =	sdelay $0x1  }
0x9e: {  	v3 =	vperm.xlane v3, v2;
	v4 =	vadd.s32 v1, v4;
	_ =	sdelay $0x1  }
0x9f: {  	v3 =	vadd.s32 v1, v3;
	_ =	sdelay $0x1  }
0xa0: {  	s29 =	simm.s32 $0x13200  }
0xa1: {  	[tilespmem:s29], [sflag:$0x3] =	stream.indirect_vreg.gather [hbm4b:s5+s1], $0x80, v4, vm0, $0xb8;
	[tilespmem:$0x18200] =	vst v63  }
0xa2: {  	s29 =	simm.s32 $0x13A00  }
0xa3: {  	[tilespmem:s29], [sflag:$0x3] =	stream.indirect_vreg.gather [hbm4b:s5+s1], $0x80, v3, vm0, $0xb8;
	[tilespmem:$0x18200] =	vst v63  }
0xa4: {  	v3 =	vld [tilespmem:$0xC0];
	_ =	sdelay $0x4  }
0xa5: {  	v44 =	vshll.u32 v3, $0x1  }
0xa6: {  	v3 =	vand.u32 $0x7, v3;
	v4 =	vand.u32 $0xFFFFFFF0, v44  }
0xa7: {  	v3 =	vor.u32 v3, v4  }
0xa8: {  	v4 =	vperm.xlane v3, v0;
	_ =	sdelay $0x1  }
0xa9: {  	v3 =	vperm.xlane v3, v2;
	v4 =	vadd.s32 v1, v4;
	_ =	sdelay $0x1  }
0xaa: {  	v3 =	vadd.s32 v1, v3;
	_ =	sdelay $0x1  }
0xab: {  	s29 =	simm.s32 $0x14200  }
0xac: {  	[tilespmem:s29], [sflag:$0x3] =	stream.indirect_vreg.gather [hbm4b:s5+s1], $0x80, v4, vm0, $0xb8;
	[tilespmem:$0x18200] =	vst v63  }
0xad: {  	s29 =	simm.s32 $0x14A00  }
0xae: {  	[tilespmem:s29], [sflag:$0x3] =	stream.indirect_vreg.gather [hbm4b:s5+s1], $0x80, v3, vm0, $0xb8;
	[tilespmem:$0x18200] =	vst v63  }
0xaf: {  	v3 =	vld [tilespmem:$0xD0];
	_ =	sdelay $0x4  }
0xb0: {  	v45 =	vshll.u32 v3, $0x1  }
0xb1: {  	v3 =	vand.u32 $0x7, v3;
	v4 =	vand.u32 $0xFFFFFFF0, v45  }
0xb2: {  	v3 =	vor.u32 v3, v4  }
0xb3: {  	v4 =	vperm.xlane v3, v0;
	_ =	sdelay $0x1  }
0xb4: {  	v3 =	vperm.xlane v3, v2;
	v4 =	vadd.s32 v1, v4;
	_ =	sdelay $0x1  }
0xb5: {  	v3 =	vadd.s32 v1, v3;
	_ =	sdelay $0x1  }
0xb6: {  	s29 =	simm.s32 $0x15200  }
0xb7: {  	[tilespmem:s29], [sflag:$0x3] =	stream.indirect_vreg.gather [hbm4b:s5+s1], $0x80, v4, vm0, $0xb8;
	[tilespmem:$0x18200] =	vst v63  }
0xb8: {  	s29 =	simm.s32 $0x15A00  }
0xb9: {  	[tilespmem:s29], [sflag:$0x3] =	stream.indirect_vreg.gather [hbm4b:s5+s1], $0x80, v3, vm0, $0xb8;
	[tilespmem:$0x18200] =	vst v63  }
0xba: {  	v3 =	vld [tilespmem:$0xE0];
	_ =	sdelay $0x4  }
0xbb: {  	v46 =	vshll.u32 v3, $0x1  }
0xbc: {  	v3 =	vand.u32 $0x7, v3;
	v4 =	vand.u32 $0xFFFFFFF0, v46  }
0xbd: {  	v3 =	vor.u32 v3, v4  }
0xbe: {  	v4 =	vperm.xlane v3, v0;
	_ =	sdelay $0x1  }
0xbf: {  	v3 =	vperm.xlane v3, v2;
	v4 =	vadd.s32 v1, v4;
	_ =	sdelay $0x1  }
0xc0: {  	v3 =	vadd.s32 v1, v3;
	_ =	sdelay $0x1  }
0xc1: {  	s29 =	simm.s32 $0x16200  }
0xc2: {  	[tilespmem:s29], [sflag:$0x3] =	stream.indirect_vreg.gather [hbm4b:s5+s1], $0x80, v4, vm0, $0xb8;
	[tilespmem:$0x18200] =	vst v63  }
0xc3: {  	s29 =	simm.s32 $0x16A00  }
0xc4: {  	[tilespmem:s29], [sflag:$0x3] =	stream.indirect_vreg.gather [hbm4b:s5+s1], $0x80, v3, vm0, $0xb8;
	[tilespmem:$0x18200] =	vst v63  }
0xc5: {  	v3 =	vld [tilespmem:$0xF0];
	_ =	sdelay $0x4  }
0xc6: {  	v47 =	vshll.u32 v3, $0x1  }
0xc7: {  	v3 =	vand.u32 $0x7, v3;
	v4 =	vand.u32 $0xFFFFFFF0, v47  }
0xc8: {  	v3 =	vor.u32 v3, v4  }
0xc9: {  	v4 =	vperm.xlane v3, v0;
	_ =	sdelay $0x1  }
0xca: {  	v3 =	vperm.xlane v3, v2;
	v4 =	vadd.s32 v1, v4;
	_ =	sdelay $0x1  }
0xcb: {  	v3 =	vadd.s32 v1, v3;
	_ =	sdelay $0x1  }
0xcc: {  	s29 =	simm.s32 $0x17200  }
0xcd: {  	[tilespmem:s29], [sflag:$0x3] =	stream.indirect_vreg.gather [hbm4b:s5+s1], $0x80, v4, vm0, $0xb8;
	[tilespmem:$0x18200] =	vst v63  }
0xce: {  	s29 =	simm.s32 $0x17A00  }
0xcf: {  	[tilespmem:s29], [sflag:$0x3] =	stream.indirect_vreg.gather [hbm4b:s5+s1], $0x80, v3, vm0, $0xb8;
	[tilespmem:$0x18200] =	vst v63  }
0xd0: {  	_ =	swait.ge [sflag:s19], $0x8000  }
0xd1: {  	[sflag:s19] =	ssyncset.done $0x0  }
0xd2: {  	s28 =	simm.s32 $0x8200;
	s29 =	rddreg [dreg:$0x5];
	[sflag:s19] =	ssyncadd.s32 $0xFFFF8000  }
0xd3: {  	[hbm4b:s29+s1] =	stream.linear.scatter [tilespmem:s28], [sflag:$0x4], $0x8000, $0x38;
	[tilespmem:$0x18200] =	vst v63  }
0xd4: {  	_ =	swait.ge [sflag:s7], $0x8000  }
0xd5: {  	[sflag:s7] =	ssyncset.done $0x0  }
0xd6: {  	[sflag:s7] =	ssyncadd.s32 $0xFFFF8000  }
0xd7: {  	v3 =	vld [tilespmem:$0x100];
	_ =	sdelay $0x4  }
0xd8: {  	v48 =	vshll.u32 v3, $0x1  }
0xd9: {  	v3 =	vand.u32 $0x7, v3;
	v4 =	vand.u32 $0xFFFFFFF0, v48  }
0xda: {  	v3 =	vor.u32 v3, v4  }
0xdb: {  	v4 =	vperm.xlane v3, v0;
	_ =	sdelay $0x1  }
0xdc: {  	v3 =	vperm.xlane v3, v2;
	v4 =	vadd.s32 v1, v4;
	_ =	sdelay $0x1  }
0xdd: {  	v3 =	vadd.s32 v1, v3;
	_ =	sdelay $0x2  }
0xde: {  	[tilespmem:s28], [sflag:$0x3] =	stream.indirect_vreg.gather [hbm4b:s5+s1], $0x80, v4, vm0, $0xb8;
	[tilespmem:$0x18200] =	vst v63  }
0xdf: {  	_ = 	snop  }
0xe0: {  	[tilespmem:s30], [sflag:$0x3] =	stream.indirect_vreg.gather [hbm4b:s5+s1], $0x80, v3, vm0, $0xb8;
	[tilespmem:$0x18200] =	vst v63  }
0xe1: {  	v3 =	vld [tilespmem:$0x110];
	_ =	sdelay $0x4  }
0xe2: {  	v49 =	vshll.u32 v3, $0x1  }
0xe3: {  	v3 =	vand.u32 $0x7, v3;
	v4 =	vand.u32 $0xFFFFFFF0, v49  }
0xe4: {  	v3 =	vor.u32 v3, v4  }
0xe5: {  	v4 =	vperm.xlane v3, v0;
	_ =	sdelay $0x1  }
0xe6: {  	v3 =	vperm.xlane v3, v2;
	v4 =	vadd.s32 v1, v4;
	_ =	sdelay $0x1  }
0xe7: {  	v3 =	vadd.s32 v1, v3;
	_ =	sdelay $0x2  }
0xe8: {  	[tilespmem:s31], [sflag:$0x3] =	stream.indirect_vreg.gather [hbm4b:s5+s1], $0x80, v4, vm0, $0xb8;
	[tilespmem:$0x18200] =	vst v63  }
0xe9: {  	_ = 	snop  }
0xea: {  	[tilespmem:s0], [sflag:$0x3] =	stream.indirect_vreg.gather [hbm4b:s5+s1], $0x80, v3, vm0, $0xb8;
	[tilespmem:$0x18200] =	vst v63  }
0xeb: {  	v3 =	vld [tilespmem:$0x120];
	_ =	sdelay $0x4  }
0xec: {  	v50 =	vshll.u32 v3, $0x1  }
0xed: {  	v3 =	vand.u32 $0x7, v3;
	v4 =	vand.u32 $0xFFFFFFF0, v50  }
0xee: {  	v3 =	vor.u32 v3, v4  }
0xef: {  	v4 =	vperm.xlane v3, v0;
	_ =	sdelay $0x1  }
0xf0: {  	v3 =	vperm.xlane v3, v2;
	v4 =	vadd.s32 v1, v4;
	_ =	sdelay $0x1  }
0xf1: {  	v3 =	vadd.s32 v1, v3;
	_ =	sdelay $0x2  }
0xf2: {  	[tilespmem:s2], [sflag:$0x3] =	stream.indirect_vreg.gather [hbm4b:s5+s1], $0x80, v4, vm0, $0xb8;
	[tilespmem:$0x18200] =	vst v63  }
0xf3: {  	_ = 	snop  }
0xf4: {  	[tilespmem:s9], [sflag:$0x3] =	stream.indirect_vreg.gather [hbm4b:s5+s1], $0x80, v3, vm0, $0xb8;
	[tilespmem:$0x18200] =	vst v63  }
0xf5: {  	v3 =	vld [tilespmem:$0x130];
	_ =	sdelay $0x4  }
0xf6: {  	v51 =	vshll.u32 v3, $0x1  }
0xf7: {  	v3 =	vand.u32 $0x7, v3;
	v4 =	vand.u32 $0xFFFFFFF0, v51  }
0xf8: {  	v3 =	vor.u32 v3, v4  }
0xf9: {  	v4 =	vperm.xlane v3, v0;
	_ =	sdelay $0x1  }
0xfa: {  	v3 =	vperm.xlane v3, v2;
	v4 =	vadd.s32 v1, v4;
	_ =	sdelay $0x1  }
0xfb: {  	v3 =	vadd.s32 v1, v3;
	_ =	sdelay $0x2  }
0xfc: {  	[tilespmem:s10], [sflag:$0x3] =	stream.indirect_vreg.gather [hbm4b:s5+s1], $0x80, v4, vm0, $0xb8;
	[tilespmem:$0x18200] =	vst v63  }
0xfd: {  	_ = 	snop  }
0xfe: {  	[tilespmem:s11], [sflag:$0x3] =	stream.indirect_vreg.gather [hbm4b:s5+s1], $0x80, v3, vm0, $0xb8;
	[tilespmem:$0x18200] =	vst v63  }
0xff: {  	v3 =	vld [tilespmem:$0x140];
	_ =	sdelay $0x4  }
0x100: {  	v52 =	vshll.u32 v3, $0x1  }
0x101: {  	v3 =	vand.u32 $0x7, v3;
	v4 =	vand.u32 $0xFFFFFFF0, v52  }
0x102: {  	v3 =	vor.u32 v3, v4  }
0x103: {  	v4 =	vperm.xlane v3, v0;
	_ =	sdelay $0x1  }
0x104: {  	v3 =	vperm.xlane v3, v2;
	v4 =	vadd.s32 v1, v4;
	_ =	sdelay $0x1  }
0x105: {  	v3 =	vadd.s32 v1, v3;
	_ =	sdelay $0x2  }
0x106: {  	[tilespmem:s12], [sflag:$0x3] =	stream.indirect_vreg.gather [hbm4b:s5+s1], $0x80, v4, vm0, $0xb8;
	[tilespmem:$0x18200] =	vst v63  }
0x107: {  	_ = 	snop  }
0x108: {  	[tilespmem:s13], [sflag:$0x3] =	stream.indirect_vreg.gather [hbm4b:s5+s1], $0x80, v3, vm0, $0xb8;
	[tilespmem:$0x18200] =	vst v63  }
0x109: {  	v3 =	vld [tilespmem:$0x150];
	_ =	sdelay $0x4  }
0x10a: {  	v53 =	vshll.u32 v3, $0x1  }
0x10b: {  	v3 =	vand.u32 $0x7, v3;
	v4 =	vand.u32 $0xFFFFFFF0, v53  }
0x10c: {  	v3 =	vor.u32 v3, v4  }
0x10d: {  	v4 =	vperm.xlane v3, v0;
	_ =	sdelay $0x1  }
0x10e: {  	v3 =	vperm.xlane v3, v2;
	v4 =	vadd.s32 v1, v4;
	_ =	sdelay $0x1  }
0x10f: {  	v3 =	vadd.s32 v1, v3;
	_ =	sdelay $0x2  }
0x110: {  	[tilespmem:s14], [sflag:$0x3] =	stream.indirect_vreg.gather [hbm4b:s5+s1], $0x80, v4, vm0, $0xb8;
	[tilespmem:$0x18200] =	vst v63  }
0x111: {  	_ = 	snop  }
0x112: {  	[tilespmem:s15], [sflag:$0x3] =	stream.indirect_vreg.gather [hbm4b:s5+s1], $0x80, v3, vm0, $0xb8;
	[tilespmem:$0x18200] =	vst v63  }
0x113: {  	v3 =	vld [tilespmem:$0x160];
	_ =	sdelay $0x4  }
0x114: {  	v54 =	vshll.u32 v3, $0x1  }
0x115: {  	v3 =	vand.u32 $0x7, v3;
	v4 =	vand.u32 $0xFFFFFFF0, v54  }
0x116: {  	v3 =	vor.u32 v3, v4  }
0x117: {  	v4 =	vperm.xlane v3, v0;
	_ =	sdelay $0x1  }
0x118: {  	v3 =	vperm.xlane v3, v2;
	v4 =	vadd.s32 v1, v4;
	_ =	sdelay $0x1  }
0x119: {  	v3 =	vadd.s32 v1, v3;
	_ =	sdelay $0x2  }
0x11a: {  	[tilespmem:s16], [sflag:$0x3] =	stream.indirect_vreg.gather [hbm4b:s5+s1], $0x80, v4, vm0, $0xb8;
	[tilespmem:$0x18200] =	vst v63  }
0x11b: {  	_ = 	snop  }
0x11c: {  	[tilespmem:s17], [sflag:$0x3] =	stream.indirect_vreg.gather [hbm4b:s5+s1], $0x80, v3, vm0, $0xb8;
	[tilespmem:$0x18200] =	vst v63  }
0x11d: {  	v3 =	vld [tilespmem:$0x170];
	_ =	sdelay $0x4  }
0x11e: {  	v55 =	vshll.u32 v3, $0x1  }
0x11f: {  	v3 =	vand.u32 $0x7, v3;
	v4 =	vand.u32 $0xFFFFFFF0, v55  }
0x120: {  	v3 =	vor.u32 v3, v4  }
0x121: {  	v4 =	vperm.xlane v3, v0;
	_ =	sdelay $0x1  }
0x122: {  	v3 =	vperm.xlane v3, v2;
	v4 =	vadd.s32 v1, v4;
	_ =	sdelay $0x1  }
0x123: {  	v3 =	vadd.s32 v1, v3;
	_ =	sdelay $0x2  }
0x124: {  	[tilespmem:s18], [sflag:$0x3] =	stream.indirect_vreg.gather [hbm4b:s5+s1], $0x80, v4, vm0, $0xb8;
	[tilespmem:$0x18200] =	vst v63  }
0x125: {  	_ = 	snop  }
0x126: {  	[tilespmem:s22], [sflag:$0x3] =	stream.indirect_vreg.gather [hbm4b:s5+s1], $0x80, v3, vm0, $0xb8;
	[tilespmem:$0x18200] =	vst v63  }
0x127: {  	_ =	swait.ge [sflag:s20], $0x4000  }
0x128: {  	[sflag:s20] =	ssyncset.done $0x0  }
0x129: {  	s0 =	rddreg [dreg:$0x6];
	[sflag:s20] =	ssyncadd.s32 $0xFFFFC000  }
0x12a: {  	[hbm4b:s0+s1] =	stream.linear.scatter [tilespmem:s25], [sflag:$0x4], $0x4000, $0x38;
	[tilespmem:$0x18200] =	vst v63  }
0x12b: {  	_ =	swait.ge [sflag:s7], $0x4000  }
0x12c: {  	[sflag:s7] =	ssyncset.done $0x0  }
0x12d: {  	[sflag:s7] =	ssyncadd.s32 $0xFFFFC000  }
0x12e: {  	[tilespmem:s25], [sflag:$0x1] =	stream.indirect.gather [hbm4b:s8+s24], $0x80, s24, s24, $0xb8;
	[tilespmem:$0x18200] =	vst v63  }
0x12f: {  	_ =	swait.ge [sflag:s21], $0x4000  }
0x130: {  	[sflag:s21] =	ssyncset.done $0x0  }
0x131: {  	s0 =	rddreg [dreg:$0x7];
	[sflag:s21] =	ssyncadd.s32 $0xFFFFC000  }
0x132: {  	[hbm4b:s0+s1] =	stream.linear.scatter [tilespmem:s26], [sflag:$0x4], $0x4000, $0x38;
	[tilespmem:$0x18200] =	vst v63  }
0x133: {  	_ =	swait.ge [sflag:s7], $0x4000  }
0x134: {  	[sflag:s7] =	ssyncset.done $0x0  }
0x135: {  	[sflag:s7] =	ssyncadd.s32 $0xFFFFC000  }
0x136: {  	[tilespmem:s26], [sflag:$0x2] =	stream.indirect.gather [hbm4b:s4+s24], $0x80, s24, s24, $0xb8;
	[tilespmem:$0x18200] =	vst v63  }
0x137: {  	_ =	swait.ge [sflag:s19], $0x8000  }
0x138: {  	[sflag:s19] =	ssyncset.done $0x0  }
0x139: {  	s0 =	rddreg [dreg:$0x8];
	[sflag:s19] =	ssyncadd.s32 $0xFFFF8000  }
0x13a: {  	[hbm4b:s0+s1] =	stream.linear.scatter [tilespmem:s3], [sflag:$0x4], $0x8000, $0x38;
	[tilespmem:$0x18200] =	vst v63  }
0x13b: {  	_ =	swait.ge [sflag:s7], $0x8000  }
0x13c: {  	[sflag:s7] =	ssyncset.done $0x0  }
0x13d: {  	[sflag:s7] =	ssyncadd.s32 $0xFFFF8000  }
0x13e: {  	v3 =	vld [tilespmem:$0x180];
	_ =	sdelay $0x4  }
0x13f: {  	v56 =	vshll.u32 v3, $0x1  }
0x140: {  	v3 =	vand.u32 $0x7, v3;
	v4 =	vand.u32 $0xFFFFFFF0, v56  }
0x141: {  	v3 =	vor.u32 v3, v4  }
0x142: {  	v4 =	vperm.xlane v3, v0;
	_ =	sdelay $0x1  }
0x143: {  	v3 =	vperm.xlane v3, v2;
	v4 =	vadd.s32 v1, v4;
	_ =	sdelay $0x1  }
0x144: {  	v3 =	vadd.s32 v1, v3;
	_ =	sdelay $0x2  }
0x145: {  	[tilespmem:s3], [sflag:$0x3] =	stream.indirect_vreg.gather [hbm4b:s5+s1], $0x80, v4, vm0, $0xb8;
	[tilespmem:$0x18200] =	vst v63  }
0x146: {  	_ = 	snop  }
0x147: {  	[tilespmem:s23], [sflag:$0x3] =	stream.indirect_vreg.gather [hbm4b:s5+s1], $0x80, v3, vm0, $0xb8;
	[tilespmem:$0x18200] =	vst v63  }
0x148: {  	v3 =	vld [tilespmem:$0x190];
	_ =	sdelay $0x4  }
0x149: {  	v57 =	vshll.u32 v3, $0x1  }
0x14a: {  	v3 =	vand.u32 $0x7, v3;
	v4 =	vand.u32 $0xFFFFFFF0, v57  }
0x14b: {  	v3 =	vor.u32 v3, v4  }
0x14c: {  	v4 =	vperm.xlane v3, v0;
	_ =	sdelay $0x1  }
0x14d: {  	v3 =	vperm.xlane v3, v2;
	v4 =	vadd.s32 v1, v4;
	_ =	sdelay $0x1  }
0x14e: {  	v3 =	vadd.s32 v1, v3;
	_ =	sdelay $0x1  }
0x14f: {  	s29 =	simm.s32 $0x11200  }
0x150: {  	[tilespmem:s29], [sflag:$0x3] =	stream.indirect_vreg.gather [hbm4b:s5+s1], $0x80, v4, vm0, $0xb8;
	[tilespmem:$0x18200] =	vst v63  }
0x151: {  	s29 =	simm.s32 $0x11A00  }
0x152: {  	[tilespmem:s29], [sflag:$0x3] =	stream.indirect_vreg.gather [hbm4b:s5+s1], $0x80, v3, vm0, $0xb8;
	[tilespmem:$0x18200] =	vst v63  }
0x153: {  	v3 =	vld [tilespmem:$0x1A0];
	_ =	sdelay $0x4  }
0x154: {  	v58 =	vshll.u32 v3, $0x1  }
0x155: {  	v3 =	vand.u32 $0x7, v3;
	v4 =	vand.u32 $0xFFFFFFF0, v58  }
0x156: {  	v3 =	vor.u32 v3, v4  }
0x157: {  	v4 =	vperm.xlane v3, v0;
	_ =	sdelay $0x1  }
0x158: {  	v3 =	vperm.xlane v3, v2;
	v4 =	vadd.s32 v1, v4;
	_ =	sdelay $0x1  }
0x159: {  	v3 =	vadd.s32 v1, v3;
	_ =	sdelay $0x1  }
0x15a: {  	s29 =	simm.s32 $0x12200  }
0x15b: {  	[tilespmem:s29], [sflag:$0x3] =	stream.indirect_vreg.gather [hbm4b:s5+s1], $0x80, v4, vm0, $0xb8;
	[tilespmem:$0x18200] =	vst v63  }
0x15c: {  	s29 =	simm.s32 $0x12A00  }
0x15d: {  	[tilespmem:s29], [sflag:$0x3] =	stream.indirect_vreg.gather [hbm4b:s5+s1], $0x80, v3, vm0, $0xb8;
	[tilespmem:$0x18200] =	vst v63  }
0x15e: {  	v3 =	vld [tilespmem:$0x1B0];
	_ =	sdelay $0x4  }
0x15f: {  	v59 =	vshll.u32 v3, $0x1  }
0x160: {  	v3 =	vand.u32 $0x7, v3;
	v4 =	vand.u32 $0xFFFFFFF0, v59  }
0x161: {  	v3 =	vor.u32 v3, v4  }
0x162: {  	v4 =	vperm.xlane v3, v0;
	_ =	sdelay $0x1  }
0x163: {  	v3 =	vperm.xlane v3, v2;
	v4 =	vadd.s32 v1, v4;
	_ =	sdelay $0x1  }
0x164: {  	v3 =	vadd.s32 v1, v3;
	_ =	sdelay $0x1  }
0x165: {  	s29 =	simm.s32 $0x13200  }
0x166: {  	[tilespmem:s29], [sflag:$0x3] =	stream.indirect_vreg.gather [hbm4b:s5+s1], $0x80, v4, vm0, $0xb8;
	[tilespmem:$0x18200] =	vst v63  }
0x167: {  	s29 =	simm.s32 $0x13A00  }
0x168: {  	[tilespmem:s29], [sflag:$0x3] =	stream.indirect_vreg.gather [hbm4b:s5+s1], $0x80, v3, vm0, $0xb8;
	[tilespmem:$0x18200] =	vst v63  }
0x169: {  	v3 =	vld [tilespmem:$0x1C0];
	_ =	sdelay $0x4  }
0x16a: {  	v60 =	vshll.u32 v3, $0x1  }
0x16b: {  	v3 =	vand.u32 $0x7, v3;
	v4 =	vand.u32 $0xFFFFFFF0, v60  }
0x16c: {  	v3 =	vor.u32 v3, v4  }
0x16d: {  	v4 =	vperm.xlane v3, v0;
	_ =	sdelay $0x1  }
0x16e: {  	v3 =	vperm.xlane v3, v2;
	v4 =	vadd.s32 v1, v4;
	_ =	sdelay $0x1  }
0x16f: {  	v3 =	vadd.s32 v1, v3;
	_ =	sdelay $0x1  }
0x170: {  	s29 =	simm.s32 $0x14200  }
0x171: {  	[tilespmem:s29], [sflag:$0x3] =	stream.indirect_vreg.gather [hbm4b:s5+s1], $0x80, v4, vm0, $0xb8;
	[tilespmem:$0x18200] =	vst v63  }
0x172: {  	s29 =	simm.s32 $0x14A00  }
0x173: {  	[tilespmem:s29], [sflag:$0x3] =	stream.indirect_vreg.gather [hbm4b:s5+s1], $0x80, v3, vm0, $0xb8;
	[tilespmem:$0x18200] =	vst v63  }
0x174: {  	v3 =	vld [tilespmem:$0x1D0];
	_ =	sdelay $0x4  }
0x175: {  	v61 =	vshll.u32 v3, $0x1  }
0x176: {  	v3 =	vand.u32 $0x7, v3;
	v4 =	vand.u32 $0xFFFFFFF0, v61  }
0x177: {  	v3 =	vor.u32 v3, v4  }
0x178: {  	v4 =	vperm.xlane v3, v0;
	_ =	sdelay $0x1  }
0x179: {  	v3 =	vperm.xlane v3, v2;
	v4 =	vadd.s32 v1, v4;
	_ =	sdelay $0x1  }
0x17a: {  	v3 =	vadd.s32 v1, v3;
	_ =	sdelay $0x1  }
0x17b: {  	s29 =	simm.s32 $0x15200  }
0x17c: {  	[tilespmem:s29], [sflag:$0x3] =	stream.indirect_vreg.gather [hbm4b:s5+s1], $0x80, v4, vm0, $0xb8;
	[tilespmem:$0x18200] =	vst v63  }
0x17d: {  	s29 =	simm.s32 $0x15A00  }
0x17e: {  	[tilespmem:s29], [sflag:$0x3] =	stream.indirect_vreg.gather [hbm4b:s5+s1], $0x80, v3, vm0, $0xb8;
	[tilespmem:$0x18200] =	vst v63  }
0x17f: {  	v3 =	vld [tilespmem:$0x1E0];
	_ =	sdelay $0x4  }
0x180: {  	v62 =	vshll.u32 v3, $0x1  }
0x181: {  	v3 =	vand.u32 $0x7, v3;
	v4 =	vand.u32 $0xFFFFFFF0, v62  }
0x182: {  	v3 =	vor.u32 v3, v4  }
0x183: {  	v4 =	vperm.xlane v3, v0;
	_ =	sdelay $0x1  }
0x184: {  	v3 =	vperm.xlane v3, v2;
	v4 =	vadd.s32 v1, v4;
	_ =	sdelay $0x1  }
0x185: {  	v3 =	vadd.s32 v1, v3;
	_ =	sdelay $0x1  }
0x186: {  	s29 =	simm.s32 $0x16200  }
0x187: {  	[tilespmem:s29], [sflag:$0x3] =	stream.indirect_vreg.gather [hbm4b:s5+s1], $0x80, v4, vm0, $0xb8;
	[tilespmem:$0x18200] =	vst v63  }
0x188: {  	s29 =	simm.s32 $0x16A00  }
0x189: {  	[tilespmem:s29], [sflag:$0x3] =	stream.indirect_vreg.gather [hbm4b:s5+s1], $0x80, v3, vm0, $0xb8;
	[tilespmem:$0x18200] =	vst v63  }
0x18a: {  	v3 =	vld [tilespmem:$0x1F0];
	_ =	sdelay $0x4  }
0x18b: {  	v63 =	vshll.u32 v3, $0x1  }
0x18c: {  	v3 =	vand.u32 $0x7, v3;
	v4 =	vand.u32 $0xFFFFFFF0, v63  }
0x18d: {  	v3 =	vor.u32 v3, v4  }
0x18e: {  	v4 =	vperm.xlane v3, v0;
	_ =	sdelay $0x1  }
0x18f: {  	v3 =	vperm.xlane v3, v2;
	v4 =	vadd.s32 v1, v4;
	_ =	sdelay $0x1  }
0x190: {  	v3 =	vadd.s32 v1, v3;
	_ =	sdelay $0x1  }
0x191: {  	s29 =	simm.s32 $0x17200  }
0x192: {  	[tilespmem:s29], [sflag:$0x3] =	stream.indirect_vreg.gather [hbm4b:s5+s1], $0x80, v4, vm0, $0xb8;
	[tilespmem:$0x18200] =	vst v63  }
0x193: {  	s29 =	simm.s32 $0x17A00  }
0x194: {  	[tilespmem:s29], [sflag:$0x3] =	stream.indirect_vreg.gather [hbm4b:s5+s1], $0x80, v3, vm0, $0xb8;
	[tilespmem:$0x18200] =	vst v63  }
0x195: {  	_ =	swait.ge [sflag:s20], $0x4000  }
0x196: {  	[sflag:s20] =	ssyncset.done $0x0  }
0x197: {  	s0 =	rddreg [dreg:$0x9];
	[sflag:s20] =	ssyncadd.s32 $0xFFFFC000  }
0x198: {  	[hbm4b:s0+s1] =	stream.linear.scatter [tilespmem:s25], [sflag:$0x4], $0x4000, $0x38;
	[tilespmem:$0x18200] =	vst v63  }
0x199: {  	_ =	swait.ge [sflag:s7], $0x4000  }
0x19a: {  	[sflag:s7] =	ssyncset.done $0x0  }
0x19b: {  	s0 =	simm.s32 $0x100;
	[sflag:s7] =	ssyncadd.s32 $0xFFFFC000  }
0x19c: {  	[tilespmem:s25], [sflag:$0x1] =	stream.indirect.gather [hbm4b:s8+s24], $0x80, s0, s24, $0xb8;
	[tilespmem:$0x18200] =	vst v63  }
0x19d: {  	_ =	swait.ge [sflag:s21], $0x4000  }
0x19e: {  	[sflag:s21] =	ssyncset.done $0x0  }
0x19f: {  	s29 =	rddreg [dreg:$0xa];
	[sflag:s21] =	ssyncadd.s32 $0xFFFFC000  }
0x1a0: {  	[hbm4b:s29+s1] =	stream.linear.scatter [tilespmem:s26], [sflag:$0x4], $0x4000, $0x38;
	[tilespmem:$0x18200] =	vst v63  }
0x1a1: {  	_ =	swait.ge [sflag:s7], $0x4000  }
0x1a2: {  	[sflag:s7] =	ssyncset.done $0x0  }
0x1a3: {  	[sflag:s7] =	ssyncadd.s32 $0xFFFFC000  }
0x1a4: {  	[tilespmem:s26], [sflag:$0x2] =	stream.indirect.gather [hbm4b:s4+s24], $0x80, s0, s24, $0xb8;
	[tilespmem:$0x18200] =	vst v63  }
0x1a5: {  	_ =	swait.ge [sflag:s19], $0x8000  }
0x1a6: {  	[sflag:s19] =	ssyncset.done $0x0  }
0x1a7: {  	s28 =	simm.s32 $0x8200;
	s0 =	rddreg [dreg:$0xb];
	[sflag:s19] =	ssyncadd.s32 $0xFFFF8000  }
0x1a8: {  	[hbm4b:s0+s1] =	stream.linear.scatter [tilespmem:s28], [sflag:$0x4], $0x8000, $0x38;
	[tilespmem:$0x18200] =	vst v63  }
0x1a9: {  	_ =	swait.ge [sflag:s7], $0x8000  }
0x1aa: {  	[sflag:s7] =	ssyncset.done $0x0  }
0x1ab: {  	[sflag:s7] =	ssyncadd.s32 $0xFFFF8000  }
0x1ac: {  	_ =	swait.ge [sflag:s20], $0x4000  }
0x1ad: {  	[sflag:s20] =	ssyncset.done $0x0  }
0x1ae: {  	s0 =	rddreg [dreg:$0xc];
	[sflag:s20] =	ssyncadd.s32 $0xFFFFC000  }
0x1af: {  	[hbm4b:s0+s1] =	stream.linear.scatter [tilespmem:s25], [sflag:$0x4], $0x4000, $0x38;
	[tilespmem:$0x18200] =	vst v63  }
0x1b0: {  	_ =	swait.ge [sflag:s7], $0x4000  }
0x1b1: {  	[sflag:s7] =	ssyncset.done $0x0  }
0x1b2: {  	s0 =	simm.s32 $0x180;
	[sflag:s7] =	ssyncadd.s32 $0xFFFFC000  }
0x1b3: {  	[tilespmem:s25], [sflag:$0x1] =	stream.indirect.gather [hbm4b:s8+s24], $0x80, s0, s24, $0xb8;
	[tilespmem:$0x18200] =	vst v63  }
0x1b4: {  	_ =	swait.ge [sflag:s21], $0x4000  }
0x1b5: {  	[sflag:s21] =	ssyncset.done $0x0  }
0x1b6: {  	s28 =	rddreg [dreg:$0xd];
	[sflag:s21] =	ssyncadd.s32 $0xFFFFC000  }
0x1b7: {  	[hbm4b:s28+s1] =	stream.linear.scatter [tilespmem:s26], [sflag:$0x4], $0x4000, $0x38;
	[tilespmem:$0x18200] =	vst v63  }
0x1b8: {  	_ =	swait.ge [sflag:s7], $0x4000  }
0x1b9: {  	[sflag:s7] =	ssyncset.done $0x0  }
0x1ba: {  	[sflag:s7] =	ssyncadd.s32 $0xFFFFC000  }
0x1bb: {  	[tilespmem:s26], [sflag:$0x2] =	stream.indirect.gather [hbm4b:s4+s24], $0x80, s0, s24, $0xb8;
	[tilespmem:$0x18200] =	vst v63  }
0x1bc: {  	_ =	swait.ge [sflag:s19], $0x8000  }
0x1bd: {  	[sflag:s19] =	ssyncset.done $0x0  }
0x1be: {  	s28 =	rddreg [dreg:$0xe];
	[sflag:s19] =	ssyncadd.s32 $0xFFFF8000  }
0x1bf: {  	[hbm4b:s28+s1] =	stream.linear.scatter [tilespmem:s3], [sflag:$0x4], $0x8000, $0x38;
	[tilespmem:$0x18200] =	vst v63  }
0x1c0: {  	_ =	swait.ge [sflag:s7], $0x8000  }
0x1c1: {  	[sflag:s7] =	ssyncset.done $0x0  }
0x1c2: {  	[sflag:s7] =	ssyncadd.s32 $0xFFFF8000  }
0x1c3: {  	_ =	swait.ge [sflag:s20], $0x4000  }
0x1c4: {  	[sflag:s20] =	ssyncset.done $0x0  }
0x1c5: {  	s0 =	rddreg [dreg:$0xf];
	[sflag:s20] =	ssyncadd.s32 $0xFFFFC000  }
0x1c6: {  	[hbm4b:s0+s1] =	stream.linear.scatter [tilespmem:s25], [sflag:$0x4], $0x4000, $0x38;
	[tilespmem:$0x18200] =	vst v63  }
0x1c7: {  	_ =	swait.ge [sflag:s7], $0x4000  }
0x1c8: {  	[sflag:s7] =	ssyncset.done $0x0  }
0x1c9: {  	[sflag:s7] =	ssyncadd.s32 $0xFFFFC000  }
0x1ca: {  	_ =	swait.ge [sflag:s21], $0x4000  }
0x1cb: {  	p0 =	sne.s32 s6, $0x1;
	[sflag:s21] =	ssyncset.done $0x0  }
.Ltmp0:
0x1cc: {  	s28 =	rddreg [dreg:$0x10];
	[sflag:s21] =	ssyncadd.s32 $0xFFFFC000;
	(pc) =	sbr.rel @p0 .LBB2_1-.Ltmp0, $4  }
0x1cd: {  	[hbm4b:s28+s1] =	stream.linear.scatter [tilespmem:s26], [sflag:$0x4], $0x4000, $0x38;
	[tilespmem:$0x18200] =	vst v63  }
0x1ce: {  	_ =	swait.ge [sflag:s7], $0x4000  }
0x1cf: {  	[sflag:s7] =	ssyncset.done $0x0  }
0x1d0: {  	s6 =	sadd.s32 $0xFFFFFFFF, s6;
	[sflag:s7] =	ssyncadd.s32 $0xFFFFC000  }
0x1d1: {  	_ =	sfence.sel $0x180000  }
0x1d2: {  	[bflag:$0x0] =	sbarrier.arrive $0xFFFF  }
0x1d3: {  	_ =	strace $0x90000047  }
0x1d4: {  	s0 =	stileid.u32;
	[bflag:$0x2] =	sbarrier.arrive $0xFFFF  }
0x1d5: {  	p0 =	sne.s32 s0, $0x0;
	s0 =	rddreg [dreg:$0x3]  }
0x1d6: {  	s0 =	sadd.s32 @!p0 $0x100000, s0  }
0x1d7: {  	[sflag:s0] =	ssyncadd.tile.s32 @!p0 $0x1;
	_ =	shalt  }
.Lfunc_end2:
_tile_overlayer_lowered:
.L_overlay_start_2:
0x1d8: {  	(tag) =	ssettag $0x2  }
0x1d9: {  	s0 =	rddreg [dreg:$0x0];
	s2 =	stileid.u32  }
0x1da: {  	s1 =	rddreg [dreg:$0x1];
	p0 =	sne.s32 s2, $0x0  }
0x1db: {  	s3 =	rddreg [dreg:$0x2];
	[bflag:$0x3] =	sbarrier.arrive $0xFFFF;
	s2 =	simm.s32 @!p0 $0x1C04  }
0x1dc: {  	[timem:s3], [sflag:s2] =	dma.local @!p0 [hbm:s0], s1  }
0x1dd: {  	s0 =	simm.s32 @!p0 $0x4  }
0x1de: {  	_ =	swait.ge @!p0 [sflag:s0], s1  }
0x1df: {  	s1 =	ssub.s32 @!p0 $0x0, s1;
	[sflag:s0] =	ssyncset.done @!p0 $0x0  }
0x1e0: {  	[sflag:s0] =	ssyncadd.s32 @!p0 s1  }
0x1e1: {  	[bflag:$0x3] =	sbarrier.arrive $0xFFFF  }
0x1e2: {  	_ =	shalt  }

</sc_bundles>
